<compile_context>
chip_gen: v7x
topology: tpu7x:2x2x1
jax: 0.10.2.dev20260603
libtpu: 0.0.44.dev20260713+nightly
codegen_flags: <defaults>
</compile_context>

<pallas_src>
import functools

import jax
import jax.numpy as jnp
from jax import lax
from jax.experimental import pallas as pl
from jax.experimental.pallas import tpu as pltpu
from jax.experimental.pallas import tpu_sc as plsc

_NC, _NS, _L = 2, 16, 16
_NW = _NC * _NS


def _sc_edge_count(e0, e1, zeros_flat, n):
    m = e0.shape[0]
    per_w = m // _NS
    ndma = per_w // 128
    mesh = plsc.VectorSubcoreMesh(core_axis_name="c", subcore_axis_name="s",
                                  num_cores=1)

    @functools.partial(
        pl.kernel, mesh=mesh,
        compiler_params=pltpu.CompilerParams(needs_layout_passes=False),
        out_type=jax.ShapeDtypeStruct((1, n * n), jnp.float32),
        scratch_types=[
            pltpu.VMEM_SHARED((n * n + n,), jnp.float32),
            pltpu.VMEM((per_w,), jnp.int32),
            pltpu.VMEM((per_w,), jnp.int32),
            pltpu.VMEM((ndma, 128), jnp.int32),
            pltpu.VMEM((ndma, 128), jnp.float32),
        ],
    )
    def edge_count(e0_hbm, e1_hbm, zero_hbm, out_hbm,
                   c_sh, e0_v, e1_v, idx_v, val_v):
        cid = lax.axis_index("c")
        sid = lax.axis_index("s")
        base = sid * per_w
        pltpu.sync_copy(e0_hbm.at[pl.ds(base, per_w)], e0_v)
        pltpu.sync_copy(e1_hbm.at[pl.ds(base, per_w)], e1_v)

        @pl.when(sid == 0)
        def _zero():
            pltpu.sync_copy(zero_hbm, c_sh.at[pl.ds(0, n * n)])

        ones = jnp.ones((_L,), jnp.float32)
        for j in range(ndma):
            for t in range(128 // _L):
                off = j * 128 + t * _L
                flat = e0_v[pl.ds(off, _L)] * n + e1_v[pl.ds(off, _L)]
                idx_v[j, pl.ds(t * _L, _L)] = flat
                val_v[j, pl.ds(t * _L, _L)] = ones
        plsc.subcore_barrier()
        for j in range(ndma):
            pltpu.sync_copy(val_v.at[j], c_sh.at[idx_v.at[j]], add=True)
        plsc.subcore_barrier()

        @pl.when(sid == 0)
        def _out():
            pltpu.sync_copy(c_sh.at[pl.ds(0, n * n)], out_hbm.at[cid])

    return edge_count(e0, e1, zeros_flat)


def _onehot(idx_col, rows, n, dtype):
    iota = lax.broadcasted_iota(jnp.int16, (rows, n), 1)
    return jnp.where(idx_col.astype(jnp.int16) == iota,
                     jnp.array(1, dtype), jnp.array(0, dtype))


def _tc_body(tri_ref, g_ref, p_ref, beta_ref, cmat_ref, out_ref,
             h_ref, logg_ref, acc_ref, *, B, N, K, BLK, nblocks,
             num_simplices, padded):
    i = pl.program_id(0)
    beta = beta_ref[0, 0]

    @pl.when(i == 0)
    def _init():
        for bb in range(B):
            hb = jnp.dot(g_ref[bb], p_ref[...],
                         preferred_element_type=jnp.float32)
            h_ref[:, bb * K:(bb + 1) * K] = (
                (beta * 1.4426950408889634) * hb).astype(jnp.bfloat16)
            eb = jnp.exp(beta * hb).astype(jnp.bfloat16)
            gb = lax.dot_general(eb, eb, (((1,), (1,)), ((), ())),
                                 preferred_element_type=jnp.float32)
            logg_ref[bb] = jnp.log(gb)
        acc_ref[0] = 0.0
        acc_ref[1] = jnp.sum(g_ref[...] ** 2)

    tidx = tri_ref[...]
    at = (_onehot(tidx[:, 0:1], BLK, N, jnp.bfloat16)
          + _onehot(tidx[:, 1:2], BLK, N, jnp.bfloat16)
          + _onehot(tidx[:, 2:3], BLK, N, jnp.bfloat16))
    hs = jnp.dot(at, h_ref[...], preferred_element_type=jnp.float32)
    prod = jnp.float32(1.0)
    for bb in range(B):
        s = jnp.sum(jnp.exp2(hs[:, bb * K:(bb + 1) * K]),
                    axis=1, keepdims=True)
        prod = prod * s
    if padded:
        valid = tidx[:, 0:1] >= 0
        acc_ref[0] += jnp.sum(jnp.where(valid, jnp.log(prod), 0.0))
    else:
        acc_ref[0] += jnp.sum(jnp.log(prod))

    @pl.when(i == nblocks - 1)
    def _fin():
        c = jnp.reshape(cmat_ref[0], (N, N))
        edge_lse = jnp.float32(0.0)
        for bb in range(B):
            edge_lse = edge_lse + jnp.sum(c * logg_ref[bb])
        total_lse = acc_ref[0] + edge_lse
        energy = (-(1.0 / (beta * num_simplices)) * total_lse
                  - 2.0 * acc_ref[1]) / (B * N)
        out_ref[...] = jnp.reshape(energy, (1, 1))


def kernel(g, patterns, beta, edges, triangles):
    B, N, D = g.shape
    K = patterns.shape[1]
    m2, m3 = edges.shape[0], triangles.shape[0]
    num_simplices = m2 + m3

    edges = edges.astype(jnp.int32)
    triangles = triangles.astype(jnp.int32)

    m2_pad = ((m2 + 128 * _NS - 1) // (128 * _NS)) * (128 * _NS)
    e0 = jnp.pad(edges[:, 0], (0, m2_pad - m2), constant_values=N)
    e1 = jnp.pad(edges[:, 1], (0, m2_pad - m2), constant_values=0)
    zeros_flat = jnp.zeros((N * N,), jnp.float32)
    cmat = _sc_edge_count(e0, e1, zeros_flat, N)

    BLK = 4080 if m3 % 4080 == 0 else 4096
    nblocks = (m3 + BLK - 1) // BLK
    triangles = jnp.pad(triangles, ((0, nblocks * BLK - m3), (0, 0)),
                        constant_values=-1)
    beta_arr = jnp.reshape(beta.astype(jnp.float32), (1, 1))

    body = functools.partial(_tc_body, B=B, N=N, K=K, BLK=BLK,
                             nblocks=nblocks, num_simplices=num_simplices,
                             padded=nblocks * BLK > m3)
    out = pl.pallas_call(
        body,
        grid=(nblocks,),
        in_specs=[
            pl.BlockSpec((BLK, 3), lambda i: (i, 0)),
            pl.BlockSpec((B, N, D), lambda i: (0, 0, 0)),
            pl.BlockSpec((D, K), lambda i: (0, 0)),
            pl.BlockSpec((1, 1), lambda i: (0, 0)),
            pl.BlockSpec((1, N * N), lambda i: (0, 0)),
        ],
        out_specs=pl.BlockSpec((1, 1), lambda i: (0, 0)),
        out_shape=jax.ShapeDtypeStruct((1, 1), jnp.float32),
        scratch_shapes=[
            pltpu.VMEM((N, B * K), jnp.bfloat16),
            pltpu.VMEM((B, N, N), jnp.float32),
            pltpu.SMEM((2,), jnp.float32),
        ],
    )(triangles, g, patterns, beta_arr, cmat)
    return jnp.reshape(out, ())

# --- scband reference (transcript-rebuilt; emitter-appended) ---
"""Pipeline reference for scband-simplicial-hopfield-network-58110907515217 (READ-ONLY COPY).

The authoritative reference and input builder live on the scoring server;
editing this copy changes nothing except your own understanding.
"""

import jax, jax.numpy as jnp
import numpy as np

EMBED_DIM = 128
HIDDEN_DIM = 512
N_TOKENS = 256
BATCH = 4
TRIANGLE_FRACTION = 0.5
BETA_INIT = 0.1
INIT_STD = 0.02


def _build_simplices(n: int):
    # mirrors SimplicialHopfieldNetwork._choose_simplices with a fixed seed
    total = n * (n - 1) // 2
    rows, cols = np.triu_indices(n, k=1)
    edges_all = np.stack([rows, cols], axis=1).astype(np.int64)
    m_tri = int(round(TRIANGLE_FRACTION * total))
    m_edge = total - m_tri
    rng = np.random.default_rng(0)
    perm = rng.permutation(edges_all.shape[0])[:m_edge]
    edges = edges_all[perm]
    # sample m_tri distinct triangles (i<j<k) without enumerating all C(n,3)
    cand = rng.integers(0, n, size=(m_tri * 8, 3))
    cand = np.sort(cand, axis=1)
    mask = (cand[:, 0] < cand[:, 1]) & (cand[:, 1] < cand[:, 2])
    cand = np.unique(cand[mask], axis=0)
    rng.shuffle(cand)
    triangles = cand[:m_tri].astype(np.int64)
    assert triangles.shape[0] == m_tri
    return edges, triangles


def setup_inputs(seed: int = 0) -> dict:
    key = jax.random.key(seed)
    k_g, k_p = jax.random.split(key)
    g = jax.random.normal(k_g, (BATCH, N_TOKENS, EMBED_DIM), dtype=jnp.float32)
    patterns = jax.random.normal(k_p, (EMBED_DIM, HIDDEN_DIM), dtype=jnp.float32) * INIT_STD
    beta = jnp.asarray(BETA_INIT, dtype=jnp.float32)
    edges_np, triangles_np = _build_simplices(N_TOKENS)
    return {
        "g": g,
        "patterns": patterns,
        "beta": beta,
        "edges": jnp.asarray(edges_np),
        "triangles": jnp.asarray(triangles_np),
    }


def reference(g, patterns, beta, edges, triangles):
    b, n, d = g.shape
    num_simplices = edges.shape[0] + triangles.shape[0]
    # h = g @ patterns : (B, N, K)
    h = jnp.einsum("bnd,dk->bnk", g, patterns)
    total_lse = jnp.zeros((), dtype=g.dtype)
    # edges: gather + add -> (B, M2, K), logsumexp over K
    h_e = h[:, edges[:, 0]] + h[:, edges[:, 1]]
    total_lse = total_lse + jax.nn.logsumexp(beta * h_e, axis=-1).sum()
    # triangles: gather + add -> (B, M3, K), logsumexp over K
    h_t = h[:, triangles[:, 0]] + h[:, triangles[:, 1]] + h[:, triangles[:, 2]]
    total_lse = total_lse + jax.nn.logsumexp(beta * h_t, axis=-1).sum()
    energy_patterns = -(1.0 / (beta * num_simplices)) * total_lse
    energy_reg = -2.0 * jnp.sum(g ** 2)
    return (energy_patterns + energy_reg) / (b * n)

if __name__ == "__main__":
    import jax
    _d = setup_inputs()
    print(jax.jit(kernel)(*tuple(_d.values())))

</pallas_src>

<mosaic_0001>
#map = affine_map<(d0, d1) -> (0)>
#map1 = affine_map<(d0, d1) -> (0, 0)>
module attributes {stable_mosaic.version = 14 : i64} {
  func.func @edge_count(%arg0: i32, %arg1: i32, %arg2: memref<16384xi32, #tpu.memory_space<hbm>>, %arg3: memref<16384xi32, #tpu.memory_space<hbm>>, %arg4: memref<65536xf32, #tpu.memory_space<hbm>>, %arg5: memref<1x65536xf32, #tpu.memory_space<hbm>>, %arg6: memref<65792xf32, #tpu.memory_space<vmem_shared>>, %arg7: memref<1024xi32, #tpu.memory_space<vmem>>, %arg8: memref<1024xi32, #tpu.memory_space<vmem>>, %arg9: memref<8x128xi32, #tpu.memory_space<vmem>>, %arg10: memref<8x128xf32, #tpu.memory_space<vmem>>) attributes {dimension_semantics = [#tpu.dimension_semantics<core_parallel>, #tpu.dimension_semantics<subcore_parallel>], iteration_bounds = array<i64: 1, 16>, scalar_prefetch = 0 : i64, scratch_operands = 5 : i64, tpu.core_type = #tpu.core_type<sc_vector_subcore>, window_params = [{transform_indices = #map}, {transform_indices = #map}, {transform_indices = #map}, {transform_indices = #map1}]} {
    %mul3A = arith.constant 1024 : i32
    %mul3A_0 = arith.muli %arg1, %mul3A : i32
    "tpu.region"() ({
      %run_scoped3A_1046 = tpu.sem_alloc : memref<!tpu.dma_semaphore, #tpu.memory_space<semaphore_mem>>
      %dma_start3A = tpu.memref_slice %arg2[%mul3A_0] : memref<16384xi32, #tpu.memory_space<hbm>> -> memref<1024xi32, #tpu.memory_space<hbm>>
      %dma_start3A_1047 = tpu.memref_slice %arg2[%mul3A_0] : memref<16384xi32, #tpu.memory_space<hbm>> -> memref<1024xi32, #tpu.memory_space<hbm>>
      tpu.enqueue_dma source(%dma_start3A_1047 : memref<1024xi32, #tpu.memory_space<hbm>>) target(%arg7 : memref<1024xi32, #tpu.memory_space<vmem>>) target_semaphore(%run_scoped3A_1046 : memref<!tpu.dma_semaphore, #tpu.memory_space<semaphore_mem>>)
      %dma_wait3A = tpu.memref_slice %arg2[%mul3A_0] : memref<16384xi32, #tpu.memory_space<hbm>> -> memref<1024xi32, #tpu.memory_space<hbm>>
      %dma_wait3A_1048 = tpu.memref_slice %arg2[%mul3A_0] : memref<16384xi32, #tpu.memory_space<hbm>> -> memref<1024xi32, #tpu.memory_space<hbm>>
      tpu.wait_dma2 semaphore(%run_scoped3A_1046 : memref<!tpu.dma_semaphore, #tpu.memory_space<semaphore_mem>>) src(%dma_wait3A_1048 : memref<1024xi32, #tpu.memory_space<hbm>>) dst(%arg7 : memref<1024xi32, #tpu.memory_space<vmem>>)
      tpu.yield
    }) : () -> ()
    "tpu.region"() ({
      %run_scoped3A_1046 = tpu.sem_alloc : memref<!tpu.dma_semaphore, #tpu.memory_space<semaphore_mem>>
      %dma_start3A = tpu.memref_slice %arg3[%mul3A_0] : memref<16384xi32, #tpu.memory_space<hbm>> -> memref<1024xi32, #tpu.memory_space<hbm>>
      %dma_start3A_1047 = tpu.memref_slice %arg3[%mul3A_0] : memref<16384xi32, #tpu.memory_space<hbm>> -> memref<1024xi32, #tpu.memory_space<hbm>>
      tpu.enqueue_dma source(%dma_start3A_1047 : memref<1024xi32, #tpu.memory_space<hbm>>) target(%arg8 : memref<1024xi32, #tpu.memory_space<vmem>>) target_semaphore(%run_scoped3A_1046 : memref<!tpu.dma_semaphore, #tpu.memory_space<semaphore_mem>>)
      %dma_wait3A = tpu.memref_slice %arg3[%mul3A_0] : memref<16384xi32, #tpu.memory_space<hbm>> -> memref<1024xi32, #tpu.memory_space<hbm>>
      %dma_wait3A_1048 = tpu.memref_slice %arg3[%mul3A_0] : memref<16384xi32, #tpu.memory_space<hbm>> -> memref<1024xi32, #tpu.memory_space<hbm>>
      tpu.wait_dma2 semaphore(%run_scoped3A_1046 : memref<!tpu.dma_semaphore, #tpu.memory_space<semaphore_mem>>) src(%dma_wait3A_1048 : memref<1024xi32, #tpu.memory_space<hbm>>) dst(%arg8 : memref<1024xi32, #tpu.memory_space<vmem>>)
      tpu.yield
    }) : () -> ()
    %eq3A = arith.constant 0 : i32
    %eq3A_1 = arith.cmpi eq, %arg1, %eq3A : i32
    %convert_element_type3A = arith.extui %eq3A_1 : i1 to i32
    %cond3A = arith.constant 0 : i32
    %cond3A_2 = arith.cmpi ne, %convert_element_type3A, %cond3A : i32
    scf.if %cond3A_2 {
      "tpu.region"() ({
        %run_scoped3A_1046 = tpu.sem_alloc : memref<!tpu.dma_semaphore, #tpu.memory_space<semaphore_mem>>
        %dma_start3A = arith.constant 0 : i32
        %dma_start3A_1047 = tpu.memref_slice %arg6[%dma_start3A] : memref<65792xf32, #tpu.memory_space<vmem_shared>> -> memref<65536xf32, #tpu.memory_space<vmem_shared>>
        tpu.enqueue_dma source(%arg4 : memref<65536xf32, #tpu.memory_space<hbm>>) target(%dma_start3A_1047 : memref<65536xf32, #tpu.memory_space<vmem_shared>>) target_semaphore(%run_scoped3A_1046 : memref<!tpu.dma_semaphore, #tpu.memory_space<semaphore_mem>>)
        %dma_wait3A = arith.constant 0 : i32
        %dma_wait3A_1048 = tpu.memref_slice %arg6[%dma_wait3A] : memref<65792xf32, #tpu.memory_space<vmem_shared>> -> memref<65536xf32, #tpu.memory_space<vmem_shared>>
        tpu.wait_dma2 semaphore(%run_scoped3A_1046 : memref<!tpu.dma_semaphore, #tpu.memory_space<semaphore_mem>>) src(%arg4 : memref<65536xf32, #tpu.memory_space<hbm>>) dst(%dma_wait3A_1048 : memref<65536xf32, #tpu.memory_space<vmem_shared>>)
        tpu.yield
      }) : () -> ()
    } else {
    }
    %broadcast_in_dim3A = arith.constant 1.000000e+00 : f32
    %broadcast_in_dim3A_3 = vector.broadcast %broadcast_in_dim3A : f32 to vector<16xf32>
    %get3A = arith.constant 0 : index
    %get3A_4 = tpu.vector_load %arg7[%get3A] {strides = array<i32>} : memref<1024xi32, #tpu.memory_space<vmem>>, vector<16xi32>,
    %mul3A_5 = arith.constant 256 : i32
    %mul3A_6 = vector.broadcast %mul3A_5 : i32 to vector<16xi32>
    %mul3A_7 = arith.muli %get3A_4, %mul3A_6 : vector<16xi32>
    %get3A_8 = arith.constant 0 : index
    %get3A_9 = tpu.vector_load %arg8[%get3A_8] {strides = array<i32>} : memref<1024xi32, #tpu.memory_space<vmem>>, vector<16xi32>,
    %add3A = arith.addi %mul3A_7, %get3A_9 : vector<16xi32>
    %swap3A = arith.constant 0 : i32
    %swap3A_10 = arith.index_cast %swap3A : i32 to index
    %swap3A_11 = arith.constant 0 : index
    %swap3A_12 = tpu.vector_load %arg9[%swap3A_10, %swap3A_11] {strides = array<i32>} : memref<8x128xi32, #tpu.memory_space<vmem>>, vector<16xi32>,
    tpu.vector_store %arg9[%swap3A_10, %swap3A_11], %add3A {strides = array<i32>} : memref<8x128xi32, #tpu.memory_space<vmem>>, vector<16xi32>,
    %swap3A_13 = arith.constant 0 : i32
    %swap3A_14 = arith.index_cast %swap3A_13 : i32 to index
    %swap3A_15 = arith.constant 0 : index
    %swap3A_16 = tpu.vector_load %arg10[%swap3A_14, %swap3A_15] {strides = array<i32>} : memref<8x128xf32, #tpu.memory_space<vmem>>, vector<16xf32>,
    tpu.vector_store %arg10[%swap3A_14, %swap3A_15], %broadcast_in_dim3A_3 {strides = array<i32>} : memref<8x128xf32, #tpu.memory_space<vmem>>, vector<16xf32>,
    %get3A_17 = arith.constant 16 : index
    %get3A_18 = tpu.vector_load %arg7[%get3A_17] {strides = array<i32>} : memref<1024xi32, #tpu.memory_space<vmem>>, vector<16xi32>,
    %mul3A_19 = arith.constant 256 : i32
    %mul3A_20 = vector.broadcast %mul3A_19 : i32 to vector<16xi32>
    %mul3A_21 = arith.muli %get3A_18, %mul3A_20 : vector<16xi32>
    %get3A_22 = arith.constant 16 : index
    %get3A_23 = tpu.vector_load %arg8[%get3A_22] {strides = array<i32>} : memref<1024xi32, #tpu.memory_space<vmem>>, vector<16xi32>,
    %add3A_24 = arith.addi %mul3A_21, %get3A_23 : vector<16xi32>
    %swap3A_25 = arith.constant 0 : i32
    %swap3A_26 = arith.index_cast %swap3A_25 : i32 to index
    %swap3A_27 = arith.constant 16 : index
    %swap3A_28 = tpu.vector_load %arg9[%swap3A_26, %swap3A_27] {strides = array<i32>} : memref<8x128xi32, #tpu.memory_space<vmem>>, vector<16xi32>,
    tpu.vector_store %arg9[%swap3A_26, %swap3A_27], %add3A_24 {strides = array<i32>} : memref<8x128xi32, #tpu.memory_space<vmem>>, vector<16xi32>,
    %swap3A_29 = arith.constant 0 : i32
    %swap3A_30 = arith.index_cast %swap3A_29 : i32 to index
    %swap3A_31 = arith.constant 16 : index
    %swap3A_32 = tpu.vector_load %arg10[%swap3A_30, %swap3A_31] {strides = array<i32>} : memref<8x128xf32, #tpu.memory_space<vmem>>, vector<16xf32>,
    tpu.vector_store %arg10[%swap3A_30, %swap3A_31], %broadcast_in_dim3A_3 {strides = array<i32>} : memref<8x128xf32, #tpu.memory_space<vmem>>, vector<16xf32>,
    %get3A_33 = arith.constant 32 : index
    %get3A_34 = tpu.vector_load %arg7[%get3A_33] {strides = array<i32>} : memref<1024xi32, #tpu.memory_space<vmem>>, vector<16xi32>,
    %mul3A_35 = arith.constant 256 : i32
    %mul3A_36 = vector.broadcast %mul3A_35 : i32 to vector<16xi32>
    %mul3A_37 = arith.muli %get3A_34, %mul3A_36 : vector<16xi32>
    %get3A_38 = arith.constant 32 : index
    %get3A_39 = tpu.vector_load %arg8[%get3A_38] {strides = array<i32>} : memref<1024xi32, #tpu.memory_space<vmem>>, vector<16xi32>,
    %add3A_40 = arith.addi %mul3A_37, %get3A_39 : vector<16xi32>
    %swap3A_41 = arith.constant 0 : i32
    %swap3A_42 = arith.index_cast %swap3A_41 : i32 to index
    %swap3A_43 = arith.constant 32 : index
    %swap3A_44 = tpu.vector_load %arg9[%swap3A_42, %swap3A_43] {strides = array<i32>} : memref<8x128xi32, #tpu.memory_space<vmem>>, vector<16xi32>,
    tpu.vector_store %arg9[%swap3A_42, %swap3A_43], %add3A_40 {strides = array<i32>} : memref<8x128xi32, #tpu.memory_space<vmem>>, vector<16xi32>,
    %swap3A_45 = arith.constant 0 : i32
    %swap3A_46 = arith.index_cast %swap3A_45 : i32 to index
    %swap3A_47 = arith.constant 32 : index
    %swap3A_48 = tpu.vector_load %arg10[%swap3A_46, %swap3A_47] {strides = array<i32>} : memref<8x128xf32, #tpu.memory_space<vmem>>, vector<16xf32>,
    tpu.vector_store %arg10[%swap3A_46, %swap3A_47], %broadcast_in_dim3A_3 {strides = array<i32>} : memref<8x128xf32, #tpu.memory_space<vmem>>, vector<16xf32>,
    %get3A_49 = arith.constant 48 : index
    %get3A_50 = tpu.vector_load %arg7[%get3A_49] {strides = array<i32>} : memref<1024xi32, #tpu.memory_space<vmem>>, vector<16xi32>,
    %mul3A_51 = arith.constant 256 : i32
    %mul3A_52 = vector.broadcast %mul3A_51 : i32 to vector<16xi32>
    %mul3A_53 = arith.muli %get3A_50, %mul3A_52 : vector<16xi32>
    %get3A_54 = arith.constant 48 : index
    %get3A_55 = tpu.vector_load %arg8[%get3A_54] {strides = array<i32>} : memref<1024xi32, #tpu.memory_space<vmem>>, vector<16xi32>,
    %add3A_56 = arith.addi %mul3A_53, %get3A_55 : vector<16xi32>
    %swap3A_57 = arith.constant 0 : i32
    %swap3A_58 = arith.index_cast %swap3A_57 : i32 to index
    %swap3A_59 = arith.constant 48 : index
    %swap3A_60 = tpu.vector_load %arg9[%swap3A_58, %swap3A_59] {strides = array<i32>} : memref<8x128xi32, #tpu.memory_space<vmem>>, vector<16xi32>,
    tpu.vector_store %arg9[%swap3A_58, %swap3A_59], %add3A_56 {strides = array<i32>} : memref<8x128xi32, #tpu.memory_space<vmem>>, vector<16xi32>,
    %swap3A_61 = arith.constant 0 : i32
    %swap3A_62 = arith.index_cast %swap3A_61 : i32 to index
    %swap3A_63 = arith.constant 48 : index
    %swap3A_64 = tpu.vector_load %arg10[%swap3A_62, %swap3A_63] {strides = array<i32>} : memref<8x128xf32, #tpu.memory_space<vmem>>, vector<16xf32>,
    tpu.vector_store %arg10[%swap3A_62, %swap3A_63], %broadcast_in_dim3A_3 {strides = array<i32>} : memref<8x128xf32, #tpu.memory_space<vmem>>, vector<16xf32>,
    %get3A_65 = arith.constant 64 : index
    %get3A_66 = tpu.vector_load %arg7[%get3A_65] {strides = array<i32>} : memref<1024xi32, #tpu.memory_space<vmem>>, vector<16xi32>,
    %mul3A_67 = arith.constant 256 : i32
    %mul3A_68 = vector.broadcast %mul3A_67 : i32 to vector<16xi32>
    %mul3A_69 = arith.muli %get3A_66, %mul3A_68 : vector<16xi32>
    %get3A_70 = arith.constant 64 : index
    %get3A_71 = tpu.vector_load %arg8[%get3A_70] {strides = array<i32>} : memref<1024xi32, #tpu.memory_space<vmem>>, vector<16xi32>,
    %add3A_72 = arith.addi %mul3A_69, %get3A_71 : vector<16xi32>
    %swap3A_73 = arith.constant 0 : i32
    %swap3A_74 = arith.index_cast %swap3A_73 : i32 to index
    %swap3A_75 = arith.constant 64 : index
    %swap3A_76 = tpu.vector_load %arg9[%swap3A_74, %swap3A_75] {strides = array<i32>} : memref<8x128xi32, #tpu.memory_space<vmem>>, vector<16xi32>,
    tpu.vector_store %arg9[%swap3A_74, %swap3A_75], %add3A_72 {strides = array<i32>} : memref<8x128xi32, #tpu.memory_space<vmem>>, vector<16xi32>,
    %swap3A_77 = arith.constant 0 : i32
    %swap3A_78 = arith.index_cast %swap3A_77 : i32 to index
    %swap3A_79 = arith.constant 64 : index
    %swap3A_80 = tpu.vector_load %arg10[%swap3A_78, %swap3A_79] {strides = array<i32>} : memref<8x128xf32, #tpu.memory_space<vmem>>, vector<16xf32>,
    tpu.vector_store %arg10[%swap3A_78, %swap3A_79], %broadcast_in_dim3A_3 {strides = array<i32>} : memref<8x128xf32, #tpu.memory_space<vmem>>, vector<16xf32>,
    %get3A_81 = arith.constant 80 : index
    %get3A_82 = tpu.vector_load %arg7[%get3A_81] {strides = array<i32>} : memref<1024xi32, #tpu.memory_space<vmem>>, vector<16xi32>,
    %mul3A_83 = arith.constant 256 : i32
    %mul3A_84 = vector.broadcast %mul3A_83 : i32 to vector<16xi32>
    %mul3A_85 = arith.muli %get3A_82, %mul3A_84 : vector<16xi32>
    %get3A_86 = arith.constant 80 : index
    %get3A_87 = tpu.vector_load %arg8[%get3A_86] {strides = array<i32>} : memref<1024xi32, #tpu.memory_space<vmem>>, vector<16xi32>,
    %add3A_88 = arith.addi %mul3A_85, %get3A_87 : vector<16xi32>
    %swap3A_89 = arith.constant 0 : i32
    %swap3A_90 = arith.index_cast %swap3A_89 : i32 to index
    %swap3A_91 = arith.constant 80 : index
    %swap3A_92 = tpu.vector_load %arg9[%swap3A_90, %swap3A_91] {strides = array<i32>} : memref<8x128xi32, #tpu.memory_space<vmem>>, vector<16xi32>,
    tpu.vector_store %arg9[%swap3A_90, %swap3A_91], %add3A_88 {strides = array<i32>} : memref<8x128xi32, #tpu.memory_space<vmem>>, vector<16xi32>,
    %swap3A_93 = arith.constant 0 : i32
    %swap3A_94 = arith.index_cast %swap3A_93 : i32 to index
    %swap3A_95 = arith.constant 80 : index
    %swap3A_96 = tpu.vector_load %arg10[%swap3A_94, %swap3A_95] {strides = array<i32>} : memref<8x128xf32, #tpu.memory_space<vmem>>, vector<16xf32>,
    tpu.vector_store %arg10[%swap3A_94, %swap3A_95], %broadcast_in_dim3A_3 {strides = array<i32>} : memref<8x128xf32, #tpu.memory_space<vmem>>, vector<16xf32>,
    %get3A_97 = arith.constant 96 : index
    %get3A_98 = tpu.vector_load %arg7[%get3A_97] {strides = array<i32>} : memref<1024xi32, #tpu.memory_space<vmem>>, vector<16xi32>,
    %mul3A_99 = arith.constant 256 : i32
    %mul3A_100 = vector.broadcast %mul3A_99 : i32 to vector<16xi32>
    %mul3A_101 = arith.muli %get3A_98, %mul3A_100 : vector<16xi32>
    %get3A_102 = arith.constant 96 : index
    %get3A_103 = tpu.vector_load %arg8[%get3A_102] {strides = array<i32>} : memref<1024xi32, #tpu.memory_space<vmem>>, vector<16xi32>,
    %add3A_104 = arith.addi %mul3A_101, %get3A_103 : vector<16xi32>
    %swap3A_105 = arith.constant 0 : i32
    %swap3A_106 = arith.index_cast %swap3A_105 : i32 to index
    %swap3A_107 = arith.constant 96 : index
    %swap3A_108 = tpu.vector_load %arg9[%swap3A_106, %swap3A_107] {strides = array<i32>} : memref<8x128xi32, #tpu.memory_space<vmem>>, vector<16xi32>,
    tpu.vector_store %arg9[%swap3A_106, %swap3A_107], %add3A_104 {strides = array<i32>} : memref<8x128xi32, #tpu.memory_space<vmem>>, vector<16xi32>,
    %swap3A_109 = arith.constant 0 : i32
    %swap3A_110 = arith.index_cast %swap3A_109 : i32 to index
    %swap3A_111 = arith.constant 96 : index
    %swap3A_112 = tpu.vector_load %arg10[%swap3A_110, %swap3A_111] {strides = array<i32>} : memref<8x128xf32, #tpu.memory_space<vmem>>, vector<16xf32>,
    tpu.vector_store %arg10[%swap3A_110, %swap3A_111], %broadcast_in_dim3A_3 {strides = array<i32>} : memref<8x128xf32, #tpu.memory_space<vmem>>, vector<16xf32>,
    %get3A_113 = arith.constant 112 : index
    %get3A_114 = tpu.vector_load %arg7[%get3A_113] {strides = array<i32>} : memref<1024xi32, #tpu.memory_space<vmem>>, vector<16xi32>,
    %mul3A_115 = arith.constant 256 : i32
    %mul3A_116 = vector.broadcast %mul3A_115 : i32 to vector<16xi32>
    %mul3A_117 = arith.muli %get3A_114, %mul3A_116 : vector<16xi32>
    %get3A_118 = arith.constant 112 : index
    %get3A_119 = tpu.vector_load %arg8[%get3A_118] {strides = array<i32>} : memref<1024xi32, #tpu.memory_space<vmem>>, vector<16xi32>,
    %add3A_120 = arith.addi %mul3A_117, %get3A_119 : vector<16xi32>
    %swap3A_121 = arith.constant 0 : i32
    %swap3A_122 = arith.index_cast %swap3A_121 : i32 to index
    %swap3A_123 = arith.constant 112 : index
    %swap3A_124 = tpu.vector_load %arg9[%swap3A_122, %swap3A_123] {strides = array<i32>} : memref<8x128xi32, #tpu.memory_space<vmem>>, vector<16xi32>,
    tpu.vector_store %arg9[%swap3A_122, %swap3A_123], %add3A_120 {strides = array<i32>} : memref<8x128xi32, #tpu.memory_space<vmem>>, vector<16xi32>,
    %swap3A_125 = arith.constant 0 : i32
    %swap3A_126 = arith.index_cast %swap3A_125 : i32 to index
    %swap3A_127 = arith.constant 112 : index
    %swap3A_128 = tpu.vector_load %arg10[%swap3A_126, %swap3A_127] {strides = array<i32>} : memref<8x128xf32, #tpu.memory_space<vmem>>, vector<16xf32>,
    tpu.vector_store %arg10[%swap3A_126, %swap3A_127], %broadcast_in_dim3A_3 {strides = array<i32>} : memref<8x128xf32, #tpu.memory_space<vmem>>, vector<16xf32>,
    %get3A_129 = arith.constant 128 : index
    %get3A_130 = tpu.vector_load %arg7[%get3A_129] {strides = array<i32>} : memref<1024xi32, #tpu.memory_space<vmem>>, vector<16xi32>,
    %mul3A_131 = arith.constant 256 : i32
    %mul3A_132 = vector.broadcast %mul3A_131 : i32 to vector<16xi32>
    %mul3A_133 = arith.muli %get3A_130, %mul3A_132 : vector<16xi32>
    %get3A_134 = arith.constant 128 : index
    %get3A_135 = tpu.vector_load %arg8[%get3A_134] {strides = array<i32>} : memref<1024xi32, #tpu.memory_space<vmem>>, vector<16xi32>,
    %add3A_136 = arith.addi %mul3A_133, %get3A_135 : vector<16xi32>
    %swap3A_137 = arith.constant 1 : i32
    %swap3A_138 = arith.index_cast %swap3A_137 : i32 to index
    %swap3A_139 = arith.constant 0 : index
    %swap3A_140 = tpu.vector_load %arg9[%swap3A_138, %swap3A_139] {strides = array<i32>} : memref<8x128xi32, #tpu.memory_space<vmem>>, vector<16xi32>,
    tpu.vector_store %arg9[%swap3A_138, %swap3A_139], %add3A_136 {strides = array<i32>} : memref<8x128xi32, #tpu.memory_space<vmem>>, vector<16xi32>,
    %swap3A_141 = arith.constant 1 : i32
    %swap3A_142 = arith.index_cast %swap3A_141 : i32 to index
    %swap3A_143 = arith.constant 0 : index
    %swap3A_144 = tpu.vector_load %arg10[%swap3A_142, %swap3A_143] {strides = array<i32>} : memref<8x128xf32, #tpu.memory_space<vmem>>, vector<16xf32>,
    tpu.vector_store %arg10[%swap3A_142, %swap3A_143], %broadcast_in_dim3A_3 {strides = array<i32>} : memref<8x128xf32, #tpu.memory_space<vmem>>, vector<16xf32>,
    %get3A_145 = arith.constant 144 : index
    %get3A_146 = tpu.vector_load %arg7[%get3A_145] {strides = array<i32>} : memref<1024xi32, #tpu.memory_space<vmem>>, vector<16xi32>,
    %mul3A_147 = arith.constant 256 : i32
    %mul3A_148 = vector.broadcast %mul3A_147 : i32 to vector<16xi32>
    %mul3A_149 = arith.muli %get3A_146, %mul3A_148 : vector<16xi32>
    %get3A_150 = arith.constant 144 : index
    %get3A_151 = tpu.vector_load %arg8[%get3A_150] {strides = array<i32>} : memref<1024xi32, #tpu.memory_space<vmem>>, vector<16xi32>,
    %add3A_152 = arith.addi %mul3A_149, %get3A_151 : vector<16xi32>
    %swap3A_153 = arith.constant 1 : i32
    %swap3A_154 = arith.index_cast %swap3A_153 : i32 to index
    %swap3A_155 = arith.constant 16 : index
    %swap3A_156 = tpu.vector_load %arg9[%swap3A_154, %swap3A_155] {strides = array<i32>} : memref<8x128xi32, #tpu.memory_space<vmem>>, vector<16xi32>,
    tpu.vector_store %arg9[%swap3A_154, %swap3A_155], %add3A_152 {strides = array<i32>} : memref<8x128xi32, #tpu.memory_space<vmem>>, vector<16xi32>,
    %swap3A_157 = arith.constant 1 : i32
    %swap3A_158 = arith.index_cast %swap3A_157 : i32 to index
    %swap3A_159 = arith.constant 16 : index
    %swap3A_160 = tpu.vector_load %arg10[%swap3A_158, %swap3A_159] {strides = array<i32>} : memref<8x128xf32, #tpu.memory_space<vmem>>, vector<16xf32>,
    tpu.vector_store %arg10[%swap3A_158, %swap3A_159], %broadcast_in_dim3A_3 {strides = array<i32>} : memref<8x128xf32, #tpu.memory_space<vmem>>, vector<16xf32>,
    %get3A_161 = arith.constant 160 : index
    %get3A_162 = tpu.vector_load %arg7[%get3A_161] {strides = array<i32>} : memref<1024xi32, #tpu.memory_space<vmem>>, vector<16xi32>,
    %mul3A_163 = arith.constant 256 : i32
    %mul3A_164 = vector.broadcast %mul3A_163 : i32 to vector<16xi32>
    %mul3A_165 = arith.muli %get3A_162, %mul3A_164 : vector<16xi32>
    %get3A_166 = arith.constant 160 : index
    %get3A_167 = tpu.vector_load %arg8[%get3A_166] {strides = array<i32>} : memref<1024xi32, #tpu.memory_space<vmem>>, vector<16xi32>,
    %add3A_168 = arith.addi %mul3A_165, %get3A_167 : vector<16xi32>
    %swap3A_169 = arith.constant 1 : i32
    %swap3A_170 = arith.index_cast %swap3A_169 : i32 to index
    %swap3A_171 = arith.constant 32 : index
    %swap3A_172 = tpu.vector_load %arg9[%swap3A_170, %swap3A_171] {strides = array<i32>} : memref<8x128xi32, #tpu.memory_space<vmem>>, vector<16xi32>,
    tpu.vector_store %arg9[%swap3A_170, %swap3A_171], %add3A_168 {strides = array<i32>} : memref<8x128xi32, #tpu.memory_space<vmem>>, vector<16xi32>,
    %swap3A_173 = arith.constant 1 : i32
    %swap3A_174 = arith.index_cast %swap3A_173 : i32 to index
    %swap3A_175 = arith.constant 32 : index
    %swap3A_176 = tpu.vector_load %arg10[%swap3A_174, %swap3A_175] {strides = array<i32>} : memref<8x128xf32, #tpu.memory_space<vmem>>, vector<16xf32>,
    tpu.vector_store %arg10[%swap3A_174, %swap3A_175], %broadcast_in_dim3A_3 {strides = array<i32>} : memref<8x128xf32, #tpu.memory_space<vmem>>, vector<16xf32>,
    %get3A_177 = arith.constant 176 : index
    %get3A_178 = tpu.vector_load %arg7[%get3A_177] {strides = array<i32>} : memref<1024xi32, #tpu.memory_space<vmem>>, vector<16xi32>,
    %mul3A_179 = arith.constant 256 : i32
    %mul3A_180 = vector.broadcast %mul3A_179 : i32 to vector<16xi32>
    %mul3A_181 = arith.muli %get3A_178, %mul3A_180 : vector<16xi32>
    %get3A_182 = arith.constant 176 : index
    %get3A_183 = tpu.vector_load %arg8[%get3A_182] {strides = array<i32>} : memref<1024xi32, #tpu.memory_space<vmem>>, vector<16xi32>,
    %add3A_184 = arith.addi %mul3A_181, %get3A_183 : vector<16xi32>
    %swap3A_185 = arith.constant 1 : i32
    %swap3A_186 = arith.index_cast %swap3A_185 : i32 to index
    %swap3A_187 = arith.constant 48 : index
    %swap3A_188 = tpu.vector_load %arg9[%swap3A_186, %swap3A_187] {strides = array<i32>} : memref<8x128xi32, #tpu.memory_space<vmem>>, vector<16xi32>,
    tpu.vector_store %arg9[%swap3A_186, %swap3A_187], %add3A_184 {strides = array<i32>} : memref<8x128xi32, #tpu.memory_space<vmem>>, vector<16xi32>,
    %swap3A_189 = arith.constant 1 : i32
    %swap3A_190 = arith.index_cast %swap3A_189 : i32 to index
    %swap3A_191 = arith.constant 48 : index
    %swap3A_192 = tpu.vector_load %arg10[%swap3A_190, %swap3A_191] {strides = array<i32>} : memref<8x128xf32, #tpu.memory_space<vmem>>, vector<16xf32>,
    tpu.vector_store %arg10[%swap3A_190, %swap3A_191], %broadcast_in_dim3A_3 {strides = array<i32>} : memref<8x128xf32, #tpu.memory_space<vmem>>, vector<16xf32>,
    %get3A_193 = arith.constant 192 : index
    %get3A_194 = tpu.vector_load %arg7[%get3A_193] {strides = array<i32>} : memref<1024xi32, #tpu.memory_space<vmem>>, vector<16xi32>,
    %mul3A_195 = arith.constant 256 : i32
    %mul3A_196 = vector.broadcast %mul3A_195 : i32 to vector<16xi32>
    %mul3A_197 = arith.muli %get3A_194, %mul3A_196 : vector<16xi32>
    %get3A_198 = arith.constant 192 : index
    %get3A_199 = tpu.vector_load %arg8[%get3A_198] {strides = array<i32>} : memref<1024xi32, #tpu.memory_space<vmem>>, vector<16xi32>,
    %add3A_200 = arith.addi %mul3A_197, %get3A_199 : vector<16xi32>
    %swap3A_201 = arith.constant 1 : i32
    %swap3A_202 = arith.index_cast %swap3A_201 : i32 to index
    %swap3A_203 = arith.constant 64 : index
    %swap3A_204 = tpu.vector_load %arg9[%swap3A_202, %swap3A_203] {strides = array<i32>} : memref<8x128xi32, #tpu.memory_space<vmem>>, vector<16xi32>,
    tpu.vector_store %arg9[%swap3A_202, %swap3A_203], %add3A_200 {strides = array<i32>} : memref<8x128xi32, #tpu.memory_space<vmem>>, vector<16xi32>,
    %swap3A_205 = arith.constant 1 : i32
    %swap3A_206 = arith.index_cast %swap3A_205 : i32 to index
    %swap3A_207 = arith.constant 64 : index
    %swap3A_208 = tpu.vector_load %arg10[%swap3A_206, %swap3A_207] {strides = array<i32>} : memref<8x128xf32, #tpu.memory_space<vmem>>, vector<16xf32>,
    tpu.vector_store %arg10[%swap3A_206, %swap3A_207], %broadcast_in_dim3A_3 {strides = array<i32>} : memref<8x128xf32, #tpu.memory_space<vmem>>, vector<16xf32>,
    %get3A_209 = arith.constant 208 : index
    %get3A_210 = tpu.vector_load %arg7[%get3A_209] {strides = array<i32>} : memref<1024xi32, #tpu.memory_space<vmem>>, vector<16xi32>,
    %mul3A_211 = arith.constant 256 : i32
    %mul3A_212 = vector.broadcast %mul3A_211 : i32 to vector<16xi32>
    %mul3A_213 = arith.muli %get3A_210, %mul3A_212 : vector<16xi32>
    %get3A_214 = arith.constant 208 : index
    %get3A_215 = tpu.vector_load %arg8[%get3A_214] {strides = array<i32>} : memref<1024xi32, #tpu.memory_space<vmem>>, vector<16xi32>,
    %add3A_216 = arith.addi %mul3A_213, %get3A_215 : vector<16xi32>
    %swap3A_217 = arith.constant 1 : i32
    %swap3A_218 = arith.index_cast %swap3A_217 : i32 to index
    %swap3A_219 = arith.constant 80 : index
    %swap3A_220 = tpu.vector_load %arg9[%swap3A_218, %swap3A_219] {strides = array<i32>} : memref<8x128xi32, #tpu.memory_space<vmem>>, vector<16xi32>,
    tpu.vector_store %arg9[%swap3A_218, %swap3A_219], %add3A_216 {strides = array<i32>} : memref<8x128xi32, #tpu.memory_space<vmem>>, vector<16xi32>,
    %swap3A_221 = arith.constant 1 : i32
    %swap3A_222 = arith.index_cast %swap3A_221 : i32 to index
    %swap3A_223 = arith.constant 80 : index
    %swap3A_224 = tpu.vector_load %arg10[%swap3A_222, %swap3A_223] {strides = array<i32>} : memref<8x128xf32, #tpu.memory_space<vmem>>, vector<16xf32>,
    tpu.vector_store %arg10[%swap3A_222, %swap3A_223], %broadcast_in_dim3A_3 {strides = array<i32>} : memref<8x128xf32, #tpu.memory_space<vmem>>, vector<16xf32>,
    %get3A_225 = arith.constant 224 : index
    %get3A_226 = tpu.vector_load %arg7[%get3A_225] {strides = array<i32>} : memref<1024xi32, #tpu.memory_space<vmem>>, vector<16xi32>,
    %mul3A_227 = arith.constant 256 : i32
    %mul3A_228 = vector.broadcast %mul3A_227 : i32 to vector<16xi32>
    %mul3A_229 = arith.muli %get3A_226, %mul3A_228 : vector<16xi32>
    %get3A_230 = arith.constant 224 : index
    %get3A_231 = tpu.vector_load %arg8[%get3A_230] {strides = array<i32>} : memref<1024xi32, #tpu.memory_space<vmem>>, vector<16xi32>,
    %add3A_232 = arith.addi %mul3A_229, %get3A_231 : vector<16xi32>
    %swap3A_233 = arith.constant 1 : i32
    %swap3A_234 = arith.index_cast %swap3A_233 : i32 to index
    %swap3A_235 = arith.constant 96 : index
    %swap3A_236 = tpu.vector_load %arg9[%swap3A_234, %swap3A_235] {strides = array<i32>} : memref<8x128xi32, #tpu.memory_space<vmem>>, vector<16xi32>,
    tpu.vector_store %arg9[%swap3A_234, %swap3A_235], %add3A_232 {strides = array<i32>} : memref<8x128xi32, #tpu.memory_space<vmem>>, vector<16xi32>,
    %swap3A_237 = arith.constant 1 : i32
    %swap3A_238 = arith.index_cast %swap3A_237 : i32 to index
    %swap3A_239 = arith.constant 96 : index
    %swap3A_240 = tpu.vector_load %arg10[%swap3A_238, %swap3A_239] {strides = array<i32>} : memref<8x128xf32, #tpu.memory_space<vmem>>, vector<16xf32>,
    tpu.vector_store %arg10[%swap3A_238, %swap3A_239], %broadcast_in_dim3A_3 {strides = array<i32>} : memref<8x128xf32, #tpu.memory_space<vmem>>, vector<16xf32>,
    %get3A_241 = arith.constant 240 : index
    %get3A_242 = tpu.vector_load %arg7[%get3A_241] {strides = array<i32>} : memref<1024xi32, #tpu.memory_space<vmem>>, vector<16xi32>,
    %mul3A_243 = arith.constant 256 : i32
    %mul3A_244 = vector.broadcast %mul3A_243 : i32 to vector<16xi32>
    %mul3A_245 = arith.muli %get3A_242, %mul3A_244 : vector<16xi32>
    %get3A_246 = arith.constant 240 : index
    %get3A_247 = tpu.vector_load %arg8[%get3A_246] {strides = array<i32>} : memref<1024xi32, #tpu.memory_space<vmem>>, vector<16xi32>,
    %add3A_248 = arith.addi %mul3A_245, %get3A_247 : vector<16xi32>
    %swap3A_249 = arith.constant 1 : i32
    %swap3A_250 = arith.index_cast %swap3A_249 : i32 to index
    %swap3A_251 = arith.constant 112 : index
    %swap3A_252 = tpu.vector_load %arg9[%swap3A_250, %swap3A_251] {strides = array<i32>} : memref<8x128xi32, #tpu.memory_space<vmem>>, vector<16xi32>,
    tpu.vector_store %arg9[%swap3A_250, %swap3A_251], %add3A_248 {strides = array<i32>} : memref<8x128xi32, #tpu.memory_space<vmem>>, vector<16xi32>,
    %swap3A_253 = arith.constant 1 : i32
    %swap3A_254 = arith.index_cast %swap3A_253 : i32 to index
    %swap3A_255 = arith.constant 112 : index
    %swap3A_256 = tpu.vector_load %arg10[%swap3A_254, %swap3A_255] {strides = array<i32>} : memref<8x128xf32, #tpu.memory_space<vmem>>, vector<16xf32>,
    tpu.vector_store %arg10[%swap3A_254, %swap3A_255], %broadcast_in_dim3A_3 {strides = array<i32>} : memref<8x128xf32, #tpu.memory_space<vmem>>, vector<16xf32>,
    %get3A_257 = arith.constant 256 : index
    %get3A_258 = tpu.vector_load %arg7[%get3A_257] {strides = array<i32>} : memref<1024xi32, #tpu.memory_space<vmem>>, vector<16xi32>,
    %mul3A_259 = arith.constant 256 : i32
    %mul3A_260 = vector.broadcast %mul3A_259 : i32 to vector<16xi32>
    %mul3A_261 = arith.muli %get3A_258, %mul3A_260 : vector<16xi32>
    %get3A_262 = arith.constant 256 : index
    %get3A_263 = tpu.vector_load %arg8[%get3A_262] {strides = array<i32>} : memref<1024xi32, #tpu.memory_space<vmem>>, vector<16xi32>,
    %add3A_264 = arith.addi %mul3A_261, %get3A_263 : vector<16xi32>
    %swap3A_265 = arith.constant 2 : i32
    %swap3A_266 = arith.index_cast %swap3A_265 : i32 to index
    %swap3A_267 = arith.constant 0 : index
    %swap3A_268 = tpu.vector_load %arg9[%swap3A_266, %swap3A_267] {strides = array<i32>} : memref<8x128xi32, #tpu.memory_space<vmem>>, vector<16xi32>,
    tpu.vector_store %arg9[%swap3A_266, %swap3A_267], %add3A_264 {strides = array<i32>} : memref<8x128xi32, #tpu.memory_space<vmem>>, vector<16xi32>,
    %swap3A_269 = arith.constant 2 : i32
    %swap3A_270 = arith.index_cast %swap3A_269 : i32 to index
    %swap3A_271 = arith.constant 0 : index
    %swap3A_272 = tpu.vector_load %arg10[%swap3A_270, %swap3A_271] {strides = array<i32>} : memref<8x128xf32, #tpu.memory_space<vmem>>, vector<16xf32>,
    tpu.vector_store %arg10[%swap3A_270, %swap3A_271], %broadcast_in_dim3A_3 {strides = array<i32>} : memref<8x128xf32, #tpu.memory_space<vmem>>, vector<16xf32>,
    %get3A_273 = arith.constant 272 : index
    %get3A_274 = tpu.vector_load %arg7[%get3A_273] {strides = array<i32>} : memref<1024xi32, #tpu.memory_space<vmem>>, vector<16xi32>,
    %mul3A_275 = arith.constant 256 : i32
    %mul3A_276 = vector.broadcast %mul3A_275 : i32 to vector<16xi32>
    %mul3A_277 = arith.muli %get3A_274, %mul3A_276 : vector<16xi32>
    %get3A_278 = arith.constant 272 : index
    %get3A_279 = tpu.vector_load %arg8[%get3A_278] {strides = array<i32>} : memref<1024xi32, #tpu.memory_space<vmem>>, vector<16xi32>,
    %add3A_280 = arith.addi %mul3A_277, %get3A_279 : vector<16xi32>
    %swap3A_281 = arith.constant 2 : i32
    %swap3A_282 = arith.index_cast %swap3A_281 : i32 to index
    %swap3A_283 = arith.constant 16 : index
    %swap3A_284 = tpu.vector_load %arg9[%swap3A_282, %swap3A_283] {strides = array<i32>} : memref<8x128xi32, #tpu.memory_space<vmem>>, vector<16xi32>,
    tpu.vector_store %arg9[%swap3A_282, %swap3A_283], %add3A_280 {strides = array<i32>} : memref<8x128xi32, #tpu.memory_space<vmem>>, vector<16xi32>,
    %swap3A_285 = arith.constant 2 : i32
    %swap3A_286 = arith.index_cast %swap3A_285 : i32 to index
    %swap3A_287 = arith.constant 16 : index
    %swap3A_288 = tpu.vector_load %arg10[%swap3A_286, %swap3A_287] {strides = array<i32>} : memref<8x128xf32, #tpu.memory_space<vmem>>, vector<16xf32>,
    tpu.vector_store %arg10[%swap3A_286, %swap3A_287], %broadcast_in_dim3A_3 {strides = array<i32>} : memref<8x128xf32, #tpu.memory_space<vmem>>, vector<16xf32>,
    %get3A_289 = arith.constant 288 : index
    %get3A_290 = tpu.vector_load %arg7[%get3A_289] {strides = array<i32>} : memref<1024xi32, #tpu.memory_space<vmem>>, vector<16xi32>,
    %mul3A_291 = arith.constant 256 : i32
    %mul3A_292 = vector.broadcast %mul3A_291 : i32 to vector<16xi32>
    %mul3A_293 = arith.muli %get3A_290, %mul3A_292 : vector<16xi32>
    %get3A_294 = arith.constant 288 : index
    %get3A_295 = tpu.vector_load %arg8[%get3A_294] {strides = array<i32>} : memref<1024xi32, #tpu.memory_space<vmem>>, vector<16xi32>,
    %add3A_296 = arith.addi %mul3A_293, %get3A_295 : vector<16xi32>
    %swap3A_297 = arith.constant 2 : i32
    %swap3A_298 = arith.index_cast %swap3A_297 : i32 to index
    %swap3A_299 = arith.constant 32 : index
    %swap3A_300 = tpu.vector_load %arg9[%swap3A_298, %swap3A_299] {strides = array<i32>} : memref<8x128xi32, #tpu.memory_space<vmem>>, vector<16xi32>,
    tpu.vector_store %arg9[%swap3A_298, %swap3A_299], %add3A_296 {strides = array<i32>} : memref<8x128xi32, #tpu.memory_space<vmem>>, vector<16xi32>,
    %swap3A_301 = arith.constant 2 : i32
    %swap3A_302 = arith.index_cast %swap3A_301 : i32 to index
    %swap3A_303 = arith.constant 32 : index
    %swap3A_304 = tpu.vector_load %arg10[%swap3A_302, %swap3A_303] {strides = array<i32>} : memref<8x128xf32, #tpu.memory_space<vmem>>, vector<16xf32>,
    tpu.vector_store %arg10[%swap3A_302, %swap3A_303], %broadcast_in_dim3A_3 {strides = array<i32>} : memref<8x128xf32, #tpu.memory_space<vmem>>, vector<16xf32>,
    %get3A_305 = arith.constant 304 : index
    %get3A_306 = tpu.vector_load %arg7[%get3A_305] {strides = array<i32>} : memref<1024xi32, #tpu.memory_space<vmem>>, vector<16xi32>,
    %mul3A_307 = arith.constant 256 : i32
    %mul3A_308 = vector.broadcast %mul3A_307 : i32 to vector<16xi32>
    %mul3A_309 = arith.muli %get3A_306, %mul3A_308 : vector<16xi32>
    %get3A_310 = arith.constant 304 : index
    %get3A_311 = tpu.vector_load %arg8[%get3A_310] {strides = array<i32>} : memref<1024xi32, #tpu.memory_space<vmem>>, vector<16xi32>,
    %add3A_312 = arith.addi %mul3A_309, %get3A_311 : vector<16xi32>
    %swap3A_313 = arith.constant 2 : i32
    %swap3A_314 = arith.index_cast %swap3A_313 : i32 to index
    %swap3A_315 = arith.constant 48 : index
    %swap3A_316 = tpu.vector_load %arg9[%swap3A_314, %swap3A_315] {strides = array<i32>} : memref<8x128xi32, #tpu.memory_space<vmem>>, vector<16xi32>,
    tpu.vector_store %arg9[%swap3A_314, %swap3A_315], %add3A_312 {strides = array<i32>} : memref<8x128xi32, #tpu.memory_space<vmem>>, vector<16xi32>,
    %swap3A_317 = arith.constant 2 : i32
    %swap3A_318 = arith.index_cast %swap3A_317 : i32 to index
    %swap3A_319 = arith.constant 48 : index
    %swap3A_320 = tpu.vector_load %arg10[%swap3A_318, %swap3A_319] {strides = array<i32>} : memref<8x128xf32, #tpu.memory_space<vmem>>, vector<16xf32>,
    tpu.vector_store %arg10[%swap3A_318, %swap3A_319], %broadcast_in_dim3A_3 {strides = array<i32>} : memref<8x128xf32, #tpu.memory_space<vmem>>, vector<16xf32>,
    %get3A_321 = arith.constant 320 : index
    %get3A_322 = tpu.vector_load %arg7[%get3A_321] {strides = array<i32>} : memref<1024xi32, #tpu.memory_space<vmem>>, vector<16xi32>,
    %mul3A_323 = arith.constant 256 : i32
    %mul3A_324 = vector.broadcast %mul3A_323 : i32 to vector<16xi32>
    %mul3A_325 = arith.muli %get3A_322, %mul3A_324 : vector<16xi32>
    %get3A_326 = arith.constant 320 : index
    %get3A_327 = tpu.vector_load %arg8[%get3A_326] {strides = array<i32>} : memref<1024xi32, #tpu.memory_space<vmem>>, vector<16xi32>,
    %add3A_328 = arith.addi %mul3A_325, %get3A_327 : vector<16xi32>
    %swap3A_329 = arith.constant 2 : i32
    %swap3A_330 = arith.index_cast %swap3A_329 : i32 to index
    %swap3A_331 = arith.constant 64 : index
    %swap3A_332 = tpu.vector_load %arg9[%swap3A_330, %swap3A_331] {strides = array<i32>} : memref<8x128xi32, #tpu.memory_space<vmem>>, vector<16xi32>,
    tpu.vector_store %arg9[%swap3A_330, %swap3A_331], %add3A_328 {strides = array<i32>} : memref<8x128xi32, #tpu.memory_space<vmem>>, vector<16xi32>,
    %swap3A_333 = arith.constant 2 : i32
    %swap3A_334 = arith.index_cast %swap3A_333 : i32 to index
    %swap3A_335 = arith.constant 64 : index
    %swap3A_336 = tpu.vector_load %arg10[%swap3A_334, %swap3A_335] {strides = array<i32>} : memref<8x128xf32, #tpu.memory_space<vmem>>, vector<16xf32>,
    tpu.vector_store %arg10[%swap3A_334, %swap3A_335], %broadcast_in_dim3A_3 {strides = array<i32>} : memref<8x128xf32, #tpu.memory_space<vmem>>, vector<16xf32>,
    %get3A_337 = arith.constant 336 : index
    %get3A_338 = tpu.vector_load %arg7[%get3A_337] {strides = array<i32>} : memref<1024xi32, #tpu.memory_space<vmem>>, vector<16xi32>,
    %mul3A_339 = arith.constant 256 : i32
    %mul3A_340 = vector.broadcast %mul3A_339 : i32 to vector<16xi32>
    %mul3A_341 = arith.muli %get3A_338, %mul3A_340 : vector<16xi32>
    %get3A_342 = arith.constant 336 : index
    %get3A_343 = tpu.vector_load %arg8[%get3A_342] {strides = array<i32>} : memref<1024xi32, #tpu.memory_space<vmem>>, vector<16xi32>,
    %add3A_344 = arith.addi %mul3A_341, %get3A_343 : vector<16xi32>
    %swap3A_345 = arith.constant 2 : i32
    %swap3A_346 = arith.index_cast %swap3A_345 : i32 to index
    %swap3A_347 = arith.constant 80 : index
    %swap3A_348 = tpu.vector_load %arg9[%swap3A_346, %swap3A_347] {strides = array<i32>} : memref<8x128xi32, #tpu.memory_space<vmem>>, vector<16xi32>,
    tpu.vector_store %arg9[%swap3A_346, %swap3A_347], %add3A_344 {strides = array<i32>} : memref<8x128xi32, #tpu.memory_space<vmem>>, vector<16xi32>,
    %swap3A_349 = arith.constant 2 : i32
    %swap3A_350 = arith.index_cast %swap3A_349 : i32 to index
    %swap3A_351 = arith.constant 80 : index
    %swap3A_352 = tpu.vector_load %arg10[%swap3A_350, %swap3A_351] {strides = array<i32>} : memref<8x128xf32, #tpu.memory_space<vmem>>, vector<16xf32>,
    tpu.vector_store %arg10[%swap3A_350, %swap3A_351], %broadcast_in_dim3A_3 {strides = array<i32>} : memref<8x128xf32, #tpu.memory_space<vmem>>, vector<16xf32>,
    %get3A_353 = arith.constant 352 : index
    %get3A_354 = tpu.vector_load %arg7[%get3A_353] {strides = array<i32>} : memref<1024xi32, #tpu.memory_space<vmem>>, vector<16xi32>,
    %mul3A_355 = arith.constant 256 : i32
    %mul3A_356 = vector.broadcast %mul3A_355 : i32 to vector<16xi32>
    %mul3A_357 = arith.muli %get3A_354, %mul3A_356 : vector<16xi32>
    %get3A_358 = arith.constant 352 : index
    %get3A_359 = tpu.vector_load %arg8[%get3A_358] {strides = array<i32>} : memref<1024xi32, #tpu.memory_space<vmem>>, vector<16xi32>,
    %add3A_360 = arith.addi %mul3A_357, %get3A_359 : vector<16xi32>
    %swap3A_361 = arith.constant 2 : i32
    %swap3A_362 = arith.index_cast %swap3A_361 : i32 to index
    %swap3A_363 = arith.constant 96 : index
    %swap3A_364 = tpu.vector_load %arg9[%swap3A_362, %swap3A_363] {strides = array<i32>} : memref<8x128xi32, #tpu.memory_space<vmem>>, vector<16xi32>,
    tpu.vector_store %arg9[%swap3A_362, %swap3A_363], %add3A_360 {strides = array<i32>} : memref<8x128xi32, #tpu.memory_space<vmem>>, vector<16xi32>,
    %swap3A_365 = arith.constant 2 : i32
    %swap3A_366 = arith.index_cast %swap3A_365 : i32 to index
    %swap3A_367 = arith.constant 96 : index
    %swap3A_368 = tpu.vector_load %arg10[%swap3A_366, %swap3A_367] {strides = array<i32>} : memref<8x128xf32, #tpu.memory_space<vmem>>, vector<16xf32>,
    tpu.vector_store %arg10[%swap3A_366, %swap3A_367], %broadcast_in_dim3A_3 {strides = array<i32>} : memref<8x128xf32, #tpu.memory_space<vmem>>, vector<16xf32>,
    %get3A_369 = arith.constant 368 : index
    %get3A_370 = tpu.vector_load %arg7[%get3A_369] {strides = array<i32>} : memref<1024xi32, #tpu.memory_space<vmem>>, vector<16xi32>,
    %mul3A_371 = arith.constant 256 : i32
    %mul3A_372 = vector.broadcast %mul3A_371 : i32 to vector<16xi32>
    %mul3A_373 = arith.muli %get3A_370, %mul3A_372 : vector<16xi32>
    %get3A_374 = arith.constant 368 : index
    %get3A_375 = tpu.vector_load %arg8[%get3A_374] {strides = array<i32>} : memref<1024xi32, #tpu.memory_space<vmem>>, vector<16xi32>,
    %add3A_376 = arith.addi %mul3A_373, %get3A_375 : vector<16xi32>
    %swap3A_377 = arith.constant 2 : i32
    %swap3A_378 = arith.index_cast %swap3A_377 : i32 to index
    %swap3A_379 = arith.constant 112 : index
    %swap3A_380 = tpu.vector_load %arg9[%swap3A_378, %swap3A_379] {strides = array<i32>} : memref<8x128xi32, #tpu.memory_space<vmem>>, vector<16xi32>,
    tpu.vector_store %arg9[%swap3A_378, %swap3A_379], %add3A_376 {strides = array<i32>} : memref<8x128xi32, #tpu.memory_space<vmem>>, vector<16xi32>,
    %swap3A_381 = arith.constant 2 : i32
    %swap3A_382 = arith.index_cast %swap3A_381 : i32 to index
    %swap3A_383 = arith.constant 112 : index
    %swap3A_384 = tpu.vector_load %arg10[%swap3A_382, %swap3A_383] {strides = array<i32>} : memref<8x128xf32, #tpu.memory_space<vmem>>, vector<16xf32>,
    tpu.vector_store %arg10[%swap3A_382, %swap3A_383], %broadcast_in_dim3A_3 {strides = array<i32>} : memref<8x128xf32, #tpu.memory_space<vmem>>, vector<16xf32>,
    %get3A_385 = arith.constant 384 : index
    %get3A_386 = tpu.vector_load %arg7[%get3A_385] {strides = array<i32>} : memref<1024xi32, #tpu.memory_space<vmem>>, vector<16xi32>,
    %mul3A_387 = arith.constant 256 : i32
    %mul3A_388 = vector.broadcast %mul3A_387 : i32 to vector<16xi32>
    %mul3A_389 = arith.muli %get3A_386, %mul3A_388 : vector<16xi32>
    %get3A_390 = arith.constant 384 : index
    %get3A_391 = tpu.vector_load %arg8[%get3A_390] {strides = array<i32>} : memref<1024xi32, #tpu.memory_space<vmem>>, vector<16xi32>,
    %add3A_392 = arith.addi %mul3A_389, %get3A_391 : vector<16xi32>
    %swap3A_393 = arith.constant 3 : i32
    %swap3A_394 = arith.index_cast %swap3A_393 : i32 to index
    %swap3A_395 = arith.constant 0 : index
    %swap3A_396 = tpu.vector_load %arg9[%swap3A_394, %swap3A_395] {strides = array<i32>} : memref<8x128xi32, #tpu.memory_space<vmem>>, vector<16xi32>,
    tpu.vector_store %arg9[%swap3A_394, %swap3A_395], %add3A_392 {strides = array<i32>} : memref<8x128xi32, #tpu.memory_space<vmem>>, vector<16xi32>,
    %swap3A_397 = arith.constant 3 : i32
    %swap3A_398 = arith.index_cast %swap3A_397 : i32 to index
    %swap3A_399 = arith.constant 0 : index
    %swap3A_400 = tpu.vector_load %arg10[%swap3A_398, %swap3A_399] {strides = array<i32>} : memref<8x128xf32, #tpu.memory_space<vmem>>, vector<16xf32>,
    tpu.vector_store %arg10[%swap3A_398, %swap3A_399], %broadcast_in_dim3A_3 {strides = array<i32>} : memref<8x128xf32, #tpu.memory_space<vmem>>, vector<16xf32>,
    %get3A_401 = arith.constant 400 : index
    %get3A_402 = tpu.vector_load %arg7[%get3A_401] {strides = array<i32>} : memref<1024xi32, #tpu.memory_space<vmem>>, vector<16xi32>,
    %mul3A_403 = arith.constant 256 : i32
    %mul3A_404 = vector.broadcast %mul3A_403 : i32 to vector<16xi32>
    %mul3A_405 = arith.muli %get3A_402, %mul3A_404 : vector<16xi32>
    %get3A_406 = arith.constant 400 : index
    %get3A_407 = tpu.vector_load %arg8[%get3A_406] {strides = array<i32>} : memref<1024xi32, #tpu.memory_space<vmem>>, vector<16xi32>,
    %add3A_408 = arith.addi %mul3A_405, %get3A_407 : vector<16xi32>
    %swap3A_409 = arith.constant 3 : i32
    %swap3A_410 = arith.index_cast %swap3A_409 : i32 to index
    %swap3A_411 = arith.constant 16 : index
    %swap3A_412 = tpu.vector_load %arg9[%swap3A_410, %swap3A_411] {strides = array<i32>} : memref<8x128xi32, #tpu.memory_space<vmem>>, vector<16xi32>,
    tpu.vector_store %arg9[%swap3A_410, %swap3A_411], %add3A_408 {strides = array<i32>} : memref<8x128xi32, #tpu.memory_space<vmem>>, vector<16xi32>,
    %swap3A_413 = arith.constant 3 : i32
    %swap3A_414 = arith.index_cast %swap3A_413 : i32 to index
    %swap3A_415 = arith.constant 16 : index
    %swap3A_416 = tpu.vector_load %arg10[%swap3A_414, %swap3A_415] {strides = array<i32>} : memref<8x128xf32, #tpu.memory_space<vmem>>, vector<16xf32>,
    tpu.vector_store %arg10[%swap3A_414, %swap3A_415], %broadcast_in_dim3A_3 {strides = array<i32>} : memref<8x128xf32, #tpu.memory_space<vmem>>, vector<16xf32>,
    %get3A_417 = arith.constant 416 : index
    %get3A_418 = tpu.vector_load %arg7[%get3A_417] {strides = array<i32>} : memref<1024xi32, #tpu.memory_space<vmem>>, vector<16xi32>,
    %mul3A_419 = arith.constant 256 : i32
    %mul3A_420 = vector.broadcast %mul3A_419 : i32 to vector<16xi32>
    %mul3A_421 = arith.muli %get3A_418, %mul3A_420 : vector<16xi32>
    %get3A_422 = arith.constant 416 : index
    %get3A_423 = tpu.vector_load %arg8[%get3A_422] {strides = array<i32>} : memref<1024xi32, #tpu.memory_space<vmem>>, vector<16xi32>,
    %add3A_424 = arith.addi %mul3A_421, %get3A_423 : vector<16xi32>
    %swap3A_425 = arith.constant 3 : i32
    %swap3A_426 = arith.index_cast %swap3A_425 : i32 to index
    %swap3A_427 = arith.constant 32 : index
    %swap3A_428 = tpu.vector_load %arg9[%swap3A_426, %swap3A_427] {strides = array<i32>} : memref<8x128xi32, #tpu.memory_space<vmem>>, vector<16xi32>,
    tpu.vector_store %arg9[%swap3A_426, %swap3A_427], %add3A_424 {strides = array<i32>} : memref<8x128xi32, #tpu.memory_space<vmem>>, vector<16xi32>,
    %swap3A_429 = arith.constant 3 : i32
    %swap3A_430 = arith.index_cast %swap3A_429 : i32 to index
    %swap3A_431 = arith.constant 32 : index
    %swap3A_432 = tpu.vector_load %arg10[%swap3A_430, %swap3A_431] {strides = array<i32>} : memref<8x128xf32, #tpu.memory_space<vmem>>, vector<16xf32>,
    tpu.vector_store %arg10[%swap3A_430, %swap3A_431], %broadcast_in_dim3A_3 {strides = array<i32>} : memref<8x128xf32, #tpu.memory_space<vmem>>, vector<16xf32>,
    %get3A_433 = arith.constant 432 : index
    %get3A_434 = tpu.vector_load %arg7[%get3A_433] {strides = array<i32>} : memref<1024xi32, #tpu.memory_space<vmem>>, vector<16xi32>,
    %mul3A_435 = arith.constant 256 : i32
    %mul3A_436 = vector.broadcast %mul3A_435 : i32 to vector<16xi32>
    %mul3A_437 = arith.muli %get3A_434, %mul3A_436 : vector<16xi32>
    %get3A_438 = arith.constant 432 : index
    %get3A_439 = tpu.vector_load %arg8[%get3A_438] {strides = array<i32>} : memref<1024xi32, #tpu.memory_space<vmem>>, vector<16xi32>,
    %add3A_440 = arith.addi %mul3A_437, %get3A_439 : vector<16xi32>
    %swap3A_441 = arith.constant 3 : i32
    %swap3A_442 = arith.index_cast %swap3A_441 : i32 to index
    %swap3A_443 = arith.constant 48 : index
    %swap3A_444 = tpu.vector_load %arg9[%swap3A_442, %swap3A_443] {strides = array<i32>} : memref<8x128xi32, #tpu.memory_space<vmem>>, vector<16xi32>,
    tpu.vector_store %arg9[%swap3A_442, %swap3A_443], %add3A_440 {strides = array<i32>} : memref<8x128xi32, #tpu.memory_space<vmem>>, vector<16xi32>,
    %swap3A_445 = arith.constant 3 : i32
    %swap3A_446 = arith.index_cast %swap3A_445 : i32 to index
    %swap3A_447 = arith.constant 48 : index
    %swap3A_448 = tpu.vector_load %arg10[%swap3A_446, %swap3A_447] {strides = array<i32>} : memref<8x128xf32, #tpu.memory_space<vmem>>, vector<16xf32>,
    tpu.vector_store %arg10[%swap3A_446, %swap3A_447], %broadcast_in_dim3A_3 {strides = array<i32>} : memref<8x128xf32, #tpu.memory_space<vmem>>, vector<16xf32>,
    %get3A_449 = arith.constant 448 : index
    %get3A_450 = tpu.vector_load %arg7[%get3A_449] {strides = array<i32>} : memref<1024xi32, #tpu.memory_space<vmem>>, vector<16xi32>,
    %mul3A_451 = arith.constant 256 : i32
    %mul3A_452 = vector.broadcast %mul3A_451 : i32 to vector<16xi32>
    %mul3A_453 = arith.muli %get3A_450, %mul3A_452 : vector<16xi32>
    %get3A_454 = arith.constant 448 : index
    %get3A_455 = tpu.vector_load %arg8[%get3A_454] {strides = array<i32>} : memref<1024xi32, #tpu.memory_space<vmem>>, vector<16xi32>,
    %add3A_456 = arith.addi %mul3A_453, %get3A_455 : vector<16xi32>
    %swap3A_457 = arith.constant 3 : i32
    %swap3A_458 = arith.index_cast %swap3A_457 : i32 to index
    %swap3A_459 = arith.constant 64 : index
    %swap3A_460 = tpu.vector_load %arg9[%swap3A_458, %swap3A_459] {strides = array<i32>} : memref<8x128xi32, #tpu.memory_space<vmem>>, vector<16xi32>,
    tpu.vector_store %arg9[%swap3A_458, %swap3A_459], %add3A_456 {strides = array<i32>} : memref<8x128xi32, #tpu.memory_space<vmem>>, vector<16xi32>,
    %swap3A_461 = arith.constant 3 : i32
    %swap3A_462 = arith.index_cast %swap3A_461 : i32 to index
    %swap3A_463 = arith.constant 64 : index
    %swap3A_464 = tpu.vector_load %arg10[%swap3A_462, %swap3A_463] {strides = array<i32>} : memref<8x128xf32, #tpu.memory_space<vmem>>, vector<16xf32>,
    tpu.vector_store %arg10[%swap3A_462, %swap3A_463], %broadcast_in_dim3A_3 {strides = array<i32>} : memref<8x128xf32, #tpu.memory_space<vmem>>, vector<16xf32>,
    %get3A_465 = arith.constant 464 : index
    %get3A_466 = tpu.vector_load %arg7[%get3A_465] {strides = array<i32>} : memref<1024xi32, #tpu.memory_space<vmem>>, vector<16xi32>,
    %mul3A_467 = arith.constant 256 : i32
    %mul3A_468 = vector.broadcast %mul3A_467 : i32 to vector<16xi32>
    %mul3A_469 = arith.muli %get3A_466, %mul3A_468 : vector<16xi32>
    %get3A_470 = arith.constant 464 : index
    %get3A_471 = tpu.vector_load %arg8[%get3A_470] {strides = array<i32>} : memref<1024xi32, #tpu.memory_space<vmem>>, vector<16xi32>,
    %add3A_472 = arith.addi %mul3A_469, %get3A_471 : vector<16xi32>
    %swap3A_473 = arith.constant 3 : i32
    %swap3A_474 = arith.index_cast %swap3A_473 : i32 to index
    %swap3A_475 = arith.constant 80 : index
    %swap3A_476 = tpu.vector_load %arg9[%swap3A_474, %swap3A_475] {strides = array<i32>} : memref<8x128xi32, #tpu.memory_space<vmem>>, vector<16xi32>,
    tpu.vector_store %arg9[%swap3A_474, %swap3A_475], %add3A_472 {strides = array<i32>} : memref<8x128xi32, #tpu.memory_space<vmem>>, vector<16xi32>,
    %swap3A_477 = arith.constant 3 : i32
    %swap3A_478 = arith.index_cast %swap3A_477 : i32 to index
    %swap3A_479 = arith.constant 80 : index
    %swap3A_480 = tpu.vector_load %arg10[%swap3A_478, %swap3A_479] {strides = array<i32>} : memref<8x128xf32, #tpu.memory_space<vmem>>, vector<16xf32>,
    tpu.vector_store %arg10[%swap3A_478, %swap3A_479], %broadcast_in_dim3A_3 {strides = array<i32>} : memref<8x128xf32, #tpu.memory_space<vmem>>, vector<16xf32>,
    %get3A_481 = arith.constant 480 : index
    %get3A_482 = tpu.vector_load %arg7[%get3A_481] {strides = array<i32>} : memref<1024xi32, #tpu.memory_space<vmem>>, vector<16xi32>,
    %mul3A_483 = arith.constant 256 : i32
    %mul3A_484 = vector.broadcast %mul3A_483 : i32 to vector<16xi32>
    %mul3A_485 = arith.muli %get3A_482, %mul3A_484 : vector<16xi32>
    %get3A_486 = arith.constant 480 : index
    %get3A_487 = tpu.vector_load %arg8[%get3A_486] {strides = array<i32>} : memref<1024xi32, #tpu.memory_space<vmem>>, vector<16xi32>,
    %add3A_488 = arith.addi %mul3A_485, %get3A_487 : vector<16xi32>
    %swap3A_489 = arith.constant 3 : i32
    %swap3A_490 = arith.index_cast %swap3A_489 : i32 to index
    %swap3A_491 = arith.constant 96 : index
    %swap3A_492 = tpu.vector_load %arg9[%swap3A_490, %swap3A_491] {strides = array<i32>} : memref<8x128xi32, #tpu.memory_space<vmem>>, vector<16xi32>,
    tpu.vector_store %arg9[%swap3A_490, %swap3A_491], %add3A_488 {strides = array<i32>} : memref<8x128xi32, #tpu.memory_space<vmem>>, vector<16xi32>,
    %swap3A_493 = arith.constant 3 : i32
    %swap3A_494 = arith.index_cast %swap3A_493 : i32 to index
    %swap3A_495 = arith.constant 96 : index
    %swap3A_496 = tpu.vector_load %arg10[%swap3A_494, %swap3A_495] {strides = array<i32>} : memref<8x128xf32, #tpu.memory_space<vmem>>, vector<16xf32>,
    tpu.vector_store %arg10[%swap3A_494, %swap3A_495], %broadcast_in_dim3A_3 {strides = array<i32>} : memref<8x128xf32, #tpu.memory_space<vmem>>, vector<16xf32>,
    %get3A_497 = arith.constant 496 : index
    %get3A_498 = tpu.vector_load %arg7[%get3A_497] {strides = array<i32>} : memref<1024xi32, #tpu.memory_space<vmem>>, vector<16xi32>,
    %mul3A_499 = arith.constant 256 : i32
    %mul3A_500 = vector.broadcast %mul3A_499 : i32 to vector<16xi32>
    %mul3A_501 = arith.muli %get3A_498, %mul3A_500 : vector<16xi32>
    %get3A_502 = arith.constant 496 : index
    %get3A_503 = tpu.vector_load %arg8[%get3A_502] {strides = array<i32>} : memref<1024xi32, #tpu.memory_space<vmem>>, vector<16xi32>,
    %add3A_504 = arith.addi %mul3A_501, %get3A_503 : vector<16xi32>
    %swap3A_505 = arith.constant 3 : i32
    %swap3A_506 = arith.index_cast %swap3A_505 : i32 to index
    %swap3A_507 = arith.constant 112 : index
    %swap3A_508 = tpu.vector_load %arg9[%swap3A_506, %swap3A_507] {strides = array<i32>} : memref<8x128xi32, #tpu.memory_space<vmem>>, vector<16xi32>,
    tpu.vector_store %arg9[%swap3A_506, %swap3A_507], %add3A_504 {strides = array<i32>} : memref<8x128xi32, #tpu.memory_space<vmem>>, vector<16xi32>,
    %swap3A_509 = arith.constant 3 : i32
    %swap3A_510 = arith.index_cast %swap3A_509 : i32 to index
    %swap3A_511 = arith.constant 112 : index
    %swap3A_512 = tpu.vector_load %arg10[%swap3A_510, %swap3A_511] {strides = array<i32>} : memref<8x128xf32, #tpu.memory_space<vmem>>, vector<16xf32>,
    tpu.vector_store %arg10[%swap3A_510, %swap3A_511], %broadcast_in_dim3A_3 {strides = array<i32>} : memref<8x128xf32, #tpu.memory_space<vmem>>, vector<16xf32>,
    %get3A_513 = arith.constant 512 : index
    %get3A_514 = tpu.vector_load %arg7[%get3A_513] {strides = array<i32>} : memref<1024xi32, #tpu.memory_space<vmem>>, vector<16xi32>,
    %mul3A_515 = arith.constant 256 : i32
    %mul3A_516 = vector.broadcast %mul3A_515 : i32 to vector<16xi32>
    %mul3A_517 = arith.muli %get3A_514, %mul3A_516 : vector<16xi32>
    %get3A_518 = arith.constant 512 : index
    %get3A_519 = tpu.vector_load %arg8[%get3A_518] {strides = array<i32>} : memref<1024xi32, #tpu.memory_space<vmem>>, vector<16xi32>,
    %add3A_520 = arith.addi %mul3A_517, %get3A_519 : vector<16xi32>
    %swap3A_521 = arith.constant 4 : i32
    %swap3A_522 = arith.index_cast %swap3A_521 : i32 to index
    %swap3A_523 = arith.constant 0 : index
    %swap3A_524 = tpu.vector_load %arg9[%swap3A_522, %swap3A_523] {strides = array<i32>} : memref<8x128xi32, #tpu.memory_space<vmem>>, vector<16xi32>,
    tpu.vector_store %arg9[%swap3A_522, %swap3A_523], %add3A_520 {strides = array<i32>} : memref<8x128xi32, #tpu.memory_space<vmem>>, vector<16xi32>,
    %swap3A_525 = arith.constant 4 : i32
    %swap3A_526 = arith.index_cast %swap3A_525 : i32 to index
    %swap3A_527 = arith.constant 0 : index
    %swap3A_528 = tpu.vector_load %arg10[%swap3A_526, %swap3A_527] {strides = array<i32>} : memref<8x128xf32, #tpu.memory_space<vmem>>, vector<16xf32>,
    tpu.vector_store %arg10[%swap3A_526, %swap3A_527], %broadcast_in_dim3A_3 {strides = array<i32>} : memref<8x128xf32, #tpu.memory_space<vmem>>, vector<16xf32>,
    %get3A_529 = arith.constant 528 : index
    %get3A_530 = tpu.vector_load %arg7[%get3A_529] {strides = array<i32>} : memref<1024xi32, #tpu.memory_space<vmem>>, vector<16xi32>,
    %mul3A_531 = arith.constant 256 : i32
    %mul3A_532 = vector.broadcast %mul3A_531 : i32 to vector<16xi32>
    %mul3A_533 = arith.muli %get3A_530, %mul3A_532 : vector<16xi32>
    %get3A_534 = arith.constant 528 : index
    %get3A_535 = tpu.vector_load %arg8[%get3A_534] {strides = array<i32>} : memref<1024xi32, #tpu.memory_space<vmem>>, vector<16xi32>,
    %add3A_536 = arith.addi %mul3A_533, %get3A_535 : vector<16xi32>
    %swap3A_537 = arith.constant 4 : i32
    %swap3A_538 = arith.index_cast %swap3A_537 : i32 to index
    %swap3A_539 = arith.constant 16 : index
    %swap3A_540 = tpu.vector_load %arg9[%swap3A_538, %swap3A_539] {strides = array<i32>} : memref<8x128xi32, #tpu.memory_space<vmem>>, vector<16xi32>,
    tpu.vector_store %arg9[%swap3A_538, %swap3A_539], %add3A_536 {strides = array<i32>} : memref<8x128xi32, #tpu.memory_space<vmem>>, vector<16xi32>,
    %swap3A_541 = arith.constant 4 : i32
    %swap3A_542 = arith.index_cast %swap3A_541 : i32 to index
    %swap3A_543 = arith.constant 16 : index
    %swap3A_544 = tpu.vector_load %arg10[%swap3A_542, %swap3A_543] {strides = array<i32>} : memref<8x128xf32, #tpu.memory_space<vmem>>, vector<16xf32>,
    tpu.vector_store %arg10[%swap3A_542, %swap3A_543], %broadcast_in_dim3A_3 {strides = array<i32>} : memref<8x128xf32, #tpu.memory_space<vmem>>, vector<16xf32>,
    %get3A_545 = arith.constant 544 : index
    %get3A_546 = tpu.vector_load %arg7[%get3A_545] {strides = array<i32>} : memref<1024xi32, #tpu.memory_space<vmem>>, vector<16xi32>,
    %mul3A_547 = arith.constant 256 : i32
    %mul3A_548 = vector.broadcast %mul3A_547 : i32 to vector<16xi32>
    %mul3A_549 = arith.muli %get3A_546, %mul3A_548 : vector<16xi32>
    %get3A_550 = arith.constant 544 : index
    %get3A_551 = tpu.vector_load %arg8[%get3A_550] {strides = array<i32>} : memref<1024xi32, #tpu.memory_space<vmem>>, vector<16xi32>,
    %add3A_552 = arith.addi %mul3A_549, %get3A_551 : vector<16xi32>
    %swap3A_553 = arith.constant 4 : i32
    %swap3A_554 = arith.index_cast %swap3A_553 : i32 to index
    %swap3A_555 = arith.constant 32 : index
    %swap3A_556 = tpu.vector_load %arg9[%swap3A_554, %swap3A_555] {strides = array<i32>} : memref<8x128xi32, #tpu.memory_space<vmem>>, vector<16xi32>,
    tpu.vector_store %arg9[%swap3A_554, %swap3A_555], %add3A_552 {strides = array<i32>} : memref<8x128xi32, #tpu.memory_space<vmem>>, vector<16xi32>,
    %swap3A_557 = arith.constant 4 : i32
    %swap3A_558 = arith.index_cast %swap3A_557 : i32 to index
    %swap3A_559 = arith.constant 32 : index
    %swap3A_560 = tpu.vector_load %arg10[%swap3A_558, %swap3A_559] {strides = array<i32>} : memref<8x128xf32, #tpu.memory_space<vmem>>, vector<16xf32>,
    tpu.vector_store %arg10[%swap3A_558, %swap3A_559], %broadcast_in_dim3A_3 {strides = array<i32>} : memref<8x128xf32, #tpu.memory_space<vmem>>, vector<16xf32>,
    %get3A_561 = arith.constant 560 : index
    %get3A_562 = tpu.vector_load %arg7[%get3A_561] {strides = array<i32>} : memref<1024xi32, #tpu.memory_space<vmem>>, vector<16xi32>,
    %mul3A_563 = arith.constant 256 : i32
    %mul3A_564 = vector.broadcast %mul3A_563 : i32 to vector<16xi32>
    %mul3A_565 = arith.muli %get3A_562, %mul3A_564 : vector<16xi32>
    %get3A_566 = arith.constant 560 : index
    %get3A_567 = tpu.vector_load %arg8[%get3A_566] {strides = array<i32>} : memref<1024xi32, #tpu.memory_space<vmem>>, vector<16xi32>,
    %add3A_568 = arith.addi %mul3A_565, %get3A_567 : vector<16xi32>
    %swap3A_569 = arith.constant 4 : i32
    %swap3A_570 = arith.index_cast %swap3A_569 : i32 to index
    %swap3A_571 = arith.constant 48 : index
    %swap3A_572 = tpu.vector_load %arg9[%swap3A_570, %swap3A_571] {strides = array<i32>} : memref<8x128xi32, #tpu.memory_space<vmem>>, vector<16xi32>,
    tpu.vector_store %arg9[%swap3A_570, %swap3A_571], %add3A_568 {strides = array<i32>} : memref<8x128xi32, #tpu.memory_space<vmem>>, vector<16xi32>,
    %swap3A_573 = arith.constant 4 : i32
    %swap3A_574 = arith.index_cast %swap3A_573 : i32 to index
    %swap3A_575 = arith.constant 48 : index
    %swap3A_576 = tpu.vector_load %arg10[%swap3A_574, %swap3A_575] {strides = array<i32>} : memref<8x128xf32, #tpu.memory_space<vmem>>, vector<16xf32>,
    tpu.vector_store %arg10[%swap3A_574, %swap3A_575], %broadcast_in_dim3A_3 {strides = array<i32>} : memref<8x128xf32, #tpu.memory_space<vmem>>, vector<16xf32>,
    %get3A_577 = arith.constant 576 : index
    %get3A_578 = tpu.vector_load %arg7[%get3A_577] {strides = array<i32>} : memref<1024xi32, #tpu.memory_space<vmem>>, vector<16xi32>,
    %mul3A_579 = arith.constant 256 : i32
    %mul3A_580 = vector.broadcast %mul3A_579 : i32 to vector<16xi32>
    %mul3A_581 = arith.muli %get3A_578, %mul3A_580 : vector<16xi32>
    %get3A_582 = arith.constant 576 : index
    %get3A_583 = tpu.vector_load %arg8[%get3A_582] {strides = array<i32>} : memref<1024xi32, #tpu.memory_space<vmem>>, vector<16xi32>,
    %add3A_584 = arith.addi %mul3A_581, %get3A_583 : vector<16xi32>
    %swap3A_585 = arith.constant 4 : i32
    %swap3A_586 = arith.index_cast %swap3A_585 : i32 to index
    %swap3A_587 = arith.constant 64 : index
    %swap3A_588 = tpu.vector_load %arg9[%swap3A_586, %swap3A_587] {strides = array<i32>} : memref<8x128xi32, #tpu.memory_space<vmem>>, vector<16xi32>,
    tpu.vector_store %arg9[%swap3A_586, %swap3A_587], %add3A_584 {strides = array<i32>} : memref<8x128xi32, #tpu.memory_space<vmem>>, vector<16xi32>,
    %swap3A_589 = arith.constant 4 : i32
    %swap3A_590 = arith.index_cast %swap3A_589 : i32 to index
    %swap3A_591 = arith.constant 64 : index
    %swap3A_592 = tpu.vector_load %arg10[%swap3A_590, %swap3A_591] {strides = array<i32>} : memref<8x128xf32, #tpu.memory_space<vmem>>, vector<16xf32>,
    tpu.vector_store %arg10[%swap3A_590, %swap3A_591], %broadcast_in_dim3A_3 {strides = array<i32>} : memref<8x128xf32, #tpu.memory_space<vmem>>, vector<16xf32>,
    %get3A_593 = arith.constant 592 : index
    %get3A_594 = tpu.vector_load %arg7[%get3A_593] {strides = array<i32>} : memref<1024xi32, #tpu.memory_space<vmem>>, vector<16xi32>,
    %mul3A_595 = arith.constant 256 : i32
    %mul3A_596 = vector.broadcast %mul3A_595 : i32 to vector<16xi32>
    %mul3A_597 = arith.muli %get3A_594, %mul3A_596 : vector<16xi32>
    %get3A_598 = arith.constant 592 : index
    %get3A_599 = tpu.vector_load %arg8[%get3A_598] {strides = array<i32>} : memref<1024xi32, #tpu.memory_space<vmem>>, vector<16xi32>,
    %add3A_600 = arith.addi %mul3A_597, %get3A_599 : vector<16xi32>
    %swap3A_601 = arith.constant 4 : i32
    %swap3A_602 = arith.index_cast %swap3A_601 : i32 to index
    %swap3A_603 = arith.constant 80 : index
    %swap3A_604 = tpu.vector_load %arg9[%swap3A_602, %swap3A_603] {strides = array<i32>} : memref<8x128xi32, #tpu.memory_space<vmem>>, vector<16xi32>,
    tpu.vector_store %arg9[%swap3A_602, %swap3A_603], %add3A_600 {strides = array<i32>} : memref<8x128xi32, #tpu.memory_space<vmem>>, vector<16xi32>,
    %swap3A_605 = arith.constant 4 : i32
    %swap3A_606 = arith.index_cast %swap3A_605 : i32 to index
    %swap3A_607 = arith.constant 80 : index
    %swap3A_608 = tpu.vector_load %arg10[%swap3A_606, %swap3A_607] {strides = array<i32>} : memref<8x128xf32, #tpu.memory_space<vmem>>, vector<16xf32>,
    tpu.vector_store %arg10[%swap3A_606, %swap3A_607], %broadcast_in_dim3A_3 {strides = array<i32>} : memref<8x128xf32, #tpu.memory_space<vmem>>, vector<16xf32>,
    %get3A_609 = arith.constant 608 : index
    %get3A_610 = tpu.vector_load %arg7[%get3A_609] {strides = array<i32>} : memref<1024xi32, #tpu.memory_space<vmem>>, vector<16xi32>,
    %mul3A_611 = arith.constant 256 : i32
    %mul3A_612 = vector.broadcast %mul3A_611 : i32 to vector<16xi32>
    %mul3A_613 = arith.muli %get3A_610, %mul3A_612 : vector<16xi32>
    %get3A_614 = arith.constant 608 : index
    %get3A_615 = tpu.vector_load %arg8[%get3A_614] {strides = array<i32>} : memref<1024xi32, #tpu.memory_space<vmem>>, vector<16xi32>,
    %add3A_616 = arith.addi %mul3A_613, %get3A_615 : vector<16xi32>
    %swap3A_617 = arith.constant 4 : i32
    %swap3A_618 = arith.index_cast %swap3A_617 : i32 to index
    %swap3A_619 = arith.constant 96 : index
    %swap3A_620 = tpu.vector_load %arg9[%swap3A_618, %swap3A_619] {strides = array<i32>} : memref<8x128xi32, #tpu.memory_space<vmem>>, vector<16xi32>,
    tpu.vector_store %arg9[%swap3A_618, %swap3A_619], %add3A_616 {strides = array<i32>} : memref<8x128xi32, #tpu.memory_space<vmem>>, vector<16xi32>,
    %swap3A_621 = arith.constant 4 : i32
    %swap3A_622 = arith.index_cast %swap3A_621 : i32 to index
    %swap3A_623 = arith.constant 96 : index
    %swap3A_624 = tpu.vector_load %arg10[%swap3A_622, %swap3A_623] {strides = array<i32>} : memref<8x128xf32, #tpu.memory_space<vmem>>, vector<16xf32>,
    tpu.vector_store %arg10[%swap3A_622, %swap3A_623], %broadcast_in_dim3A_3 {strides = array<i32>} : memref<8x128xf32, #tpu.memory_space<vmem>>, vector<16xf32>,
    %get3A_625 = arith.constant 624 : index
    %get3A_626 = tpu.vector_load %arg7[%get3A_625] {strides = array<i32>} : memref<1024xi32, #tpu.memory_space<vmem>>, vector<16xi32>,
    %mul3A_627 = arith.constant 256 : i32
    %mul3A_628 = vector.broadcast %mul3A_627 : i32 to vector<16xi32>
    %mul3A_629 = arith.muli %get3A_626, %mul3A_628 : vector<16xi32>
    %get3A_630 = arith.constant 624 : index
    %get3A_631 = tpu.vector_load %arg8[%get3A_630] {strides = array<i32>} : memref<1024xi32, #tpu.memory_space<vmem>>, vector<16xi32>,
    %add3A_632 = arith.addi %mul3A_629, %get3A_631 : vector<16xi32>
    %swap3A_633 = arith.constant 4 : i32
    %swap3A_634 = arith.index_cast %swap3A_633 : i32 to index
    %swap3A_635 = arith.constant 112 : index
    %swap3A_636 = tpu.vector_load %arg9[%swap3A_634, %swap3A_635] {strides = array<i32>} : memref<8x128xi32, #tpu.memory_space<vmem>>, vector<16xi32>,
    tpu.vector_store %arg9[%swap3A_634, %swap3A_635], %add3A_632 {strides = array<i32>} : memref<8x128xi32, #tpu.memory_space<vmem>>, vector<16xi32>,
    %swap3A_637 = arith.constant 4 : i32
    %swap3A_638 = arith.index_cast %swap3A_637 : i32 to index
    %swap3A_639 = arith.constant 112 : index
    %swap3A_640 = tpu.vector_load %arg10[%swap3A_638, %swap3A_639] {strides = array<i32>} : memref<8x128xf32, #tpu.memory_space<vmem>>, vector<16xf32>,
    tpu.vector_store %arg10[%swap3A_638, %swap3A_639], %broadcast_in_dim3A_3 {strides = array<i32>} : memref<8x128xf32, #tpu.memory_space<vmem>>, vector<16xf32>,
    %get3A_641 = arith.constant 640 : index
    %get3A_642 = tpu.vector_load %arg7[%get3A_641] {strides = array<i32>} : memref<1024xi32, #tpu.memory_space<vmem>>, vector<16xi32>,
    %mul3A_643 = arith.constant 256 : i32
    %mul3A_644 = vector.broadcast %mul3A_643 : i32 to vector<16xi32>
    %mul3A_645 = arith.muli %get3A_642, %mul3A_644 : vector<16xi32>
    %get3A_646 = arith.constant 640 : index
    %get3A_647 = tpu.vector_load %arg8[%get3A_646] {strides = array<i32>} : memref<1024xi32, #tpu.memory_space<vmem>>, vector<16xi32>,
    %add3A_648 = arith.addi %mul3A_645, %get3A_647 : vector<16xi32>
    %swap3A_649 = arith.constant 5 : i32
    %swap3A_650 = arith.index_cast %swap3A_649 : i32 to index
    %swap3A_651 = arith.constant 0 : index
    %swap3A_652 = tpu.vector_load %arg9[%swap3A_650, %swap3A_651] {strides = array<i32>} : memref<8x128xi32, #tpu.memory_space<vmem>>, vector<16xi32>,
    tpu.vector_store %arg9[%swap3A_650, %swap3A_651], %add3A_648 {strides = array<i32>} : memref<8x128xi32, #tpu.memory_space<vmem>>, vector<16xi32>,
    %swap3A_653 = arith.constant 5 : i32
    %swap3A_654 = arith.index_cast %swap3A_653 : i32 to index
    %swap3A_655 = arith.constant 0 : index
    %swap3A_656 = tpu.vector_load %arg10[%swap3A_654, %swap3A_655] {strides = array<i32>} : memref<8x128xf32, #tpu.memory_space<vmem>>, vector<16xf32>,
    tpu.vector_store %arg10[%swap3A_654, %swap3A_655], %broadcast_in_dim3A_3 {strides = array<i32>} : memref<8x128xf32, #tpu.memory_space<vmem>>, vector<16xf32>,
    %get3A_657 = arith.constant 656 : index
    %get3A_658 = tpu.vector_load %arg7[%get3A_657] {strides = array<i32>} : memref<1024xi32, #tpu.memory_space<vmem>>, vector<16xi32>,
    %mul3A_659 = arith.constant 256 : i32
    %mul3A_660 = vector.broadcast %mul3A_659 : i32 to vector<16xi32>
    %mul3A_661 = arith.muli %get3A_658, %mul3A_660 : vector<16xi32>
    %get3A_662 = arith.constant 656 : index
    %get3A_663 = tpu.vector_load %arg8[%get3A_662] {strides = array<i32>} : memref<1024xi32, #tpu.memory_space<vmem>>, vector<16xi32>,
    %add3A_664 = arith.addi %mul3A_661, %get3A_663 : vector<16xi32>
    %swap3A_665 = arith.constant 5 : i32
    %swap3A_666 = arith.index_cast %swap3A_665 : i32 to index
    %swap3A_667 = arith.constant 16 : index
    %swap3A_668 = tpu.vector_load %arg9[%swap3A_666, %swap3A_667] {strides = array<i32>} : memref<8x128xi32, #tpu.memory_space<vmem>>, vector<16xi32>,
    tpu.vector_store %arg9[%swap3A_666, %swap3A_667], %add3A_664 {strides = array<i32>} : memref<8x128xi32, #tpu.memory_space<vmem>>, vector<16xi32>,
    %swap3A_669 = arith.constant 5 : i32
    %swap3A_670 = arith.index_cast %swap3A_669 : i32 to index
    %swap3A_671 = arith.constant 16 : index
    %swap3A_672 = tpu.vector_load %arg10[%swap3A_670, %swap3A_671] {strides = array<i32>} : memref<8x128xf32, #tpu.memory_space<vmem>>, vector<16xf32>,
    tpu.vector_store %arg10[%swap3A_670, %swap3A_671], %broadcast_in_dim3A_3 {strides = array<i32>} : memref<8x128xf32, #tpu.memory_space<vmem>>, vector<16xf32>,
    %get3A_673 = arith.constant 672 : index
    %get3A_674 = tpu.vector_load %arg7[%get3A_673] {strides = array<i32>} : memref<1024xi32, #tpu.memory_space<vmem>>, vector<16xi32>,
    %mul3A_675 = arith.constant 256 : i32
    %mul3A_676 = vector.broadcast %mul3A_675 : i32 to vector<16xi32>
    %mul3A_677 = arith.muli %get3A_674, %mul3A_676 : vector<16xi32>
    %get3A_678 = arith.constant 672 : index
    %get3A_679 = tpu.vector_load %arg8[%get3A_678] {strides = array<i32>} : memref<1024xi32, #tpu.memory_space<vmem>>, vector<16xi32>,
    %add3A_680 = arith.addi %mul3A_677, %get3A_679 : vector<16xi32>
    %swap3A_681 = arith.constant 5 : i32
    %swap3A_682 = arith.index_cast %swap3A_681 : i32 to index
    %swap3A_683 = arith.constant 32 : index
    %swap3A_684 = tpu.vector_load %arg9[%swap3A_682, %swap3A_683] {strides = array<i32>} : memref<8x128xi32, #tpu.memory_space<vmem>>, vector<16xi32>,
    tpu.vector_store %arg9[%swap3A_682, %swap3A_683], %add3A_680 {strides = array<i32>} : memref<8x128xi32, #tpu.memory_space<vmem>>, vector<16xi32>,
    %swap3A_685 = arith.constant 5 : i32
    %swap3A_686 = arith.index_cast %swap3A_685 : i32 to index
    %swap3A_687 = arith.constant 32 : index
    %swap3A_688 = tpu.vector_load %arg10[%swap3A_686, %swap3A_687] {strides = array<i32>} : memref<8x128xf32, #tpu.memory_space<vmem>>, vector<16xf32>,
    tpu.vector_store %arg10[%swap3A_686, %swap3A_687], %broadcast_in_dim3A_3 {strides = array<i32>} : memref<8x128xf32, #tpu.memory_space<vmem>>, vector<16xf32>,
    %get3A_689 = arith.constant 688 : index
    %get3A_690 = tpu.vector_load %arg7[%get3A_689] {strides = array<i32>} : memref<1024xi32, #tpu.memory_space<vmem>>, vector<16xi32>,
    %mul3A_691 = arith.constant 256 : i32
    %mul3A_692 = vector.broadcast %mul3A_691 : i32 to vector<16xi32>
    %mul3A_693 = arith.muli %get3A_690, %mul3A_692 : vector<16xi32>
    %get3A_694 = arith.constant 688 : index
    %get3A_695 = tpu.vector_load %arg8[%get3A_694] {strides = array<i32>} : memref<1024xi32, #tpu.memory_space<vmem>>, vector<16xi32>,
    %add3A_696 = arith.addi %mul3A_693, %get3A_695 : vector<16xi32>
    %swap3A_697 = arith.constant 5 : i32
    %swap3A_698 = arith.index_cast %swap3A_697 : i32 to index
    %swap3A_699 = arith.constant 48 : index
    %swap3A_700 = tpu.vector_load %arg9[%swap3A_698, %swap3A_699] {strides = array<i32>} : memref<8x128xi32, #tpu.memory_space<vmem>>, vector<16xi32>,
    tpu.vector_store %arg9[%swap3A_698, %swap3A_699], %add3A_696 {strides = array<i32>} : memref<8x128xi32, #tpu.memory_space<vmem>>, vector<16xi32>,
    %swap3A_701 = arith.constant 5 : i32
    %swap3A_702 = arith.index_cast %swap3A_701 : i32 to index
    %swap3A_703 = arith.constant 48 : index
    %swap3A_704 = tpu.vector_load %arg10[%swap3A_702, %swap3A_703] {strides = array<i32>} : memref<8x128xf32, #tpu.memory_space<vmem>>, vector<16xf32>,
    tpu.vector_store %arg10[%swap3A_702, %swap3A_703], %broadcast_in_dim3A_3 {strides = array<i32>} : memref<8x128xf32, #tpu.memory_space<vmem>>, vector<16xf32>,
    %get3A_705 = arith.constant 704 : index
    %get3A_706 = tpu.vector_load %arg7[%get3A_705] {strides = array<i32>} : memref<1024xi32, #tpu.memory_space<vmem>>, vector<16xi32>,
    %mul3A_707 = arith.constant 256 : i32
    %mul3A_708 = vector.broadcast %mul3A_707 : i32 to vector<16xi32>
    %mul3A_709 = arith.muli %get3A_706, %mul3A_708 : vector<16xi32>
    %get3A_710 = arith.constant 704 : index
    %get3A_711 = tpu.vector_load %arg8[%get3A_710] {strides = array<i32>} : memref<1024xi32, #tpu.memory_space<vmem>>, vector<16xi32>,
    %add3A_712 = arith.addi %mul3A_709, %get3A_711 : vector<16xi32>
    %swap3A_713 = arith.constant 5 : i32
    %swap3A_714 = arith.index_cast %swap3A_713 : i32 to index
    %swap3A_715 = arith.constant 64 : index
    %swap3A_716 = tpu.vector_load %arg9[%swap3A_714, %swap3A_715] {strides = array<i32>} : memref<8x128xi32, #tpu.memory_space<vmem>>, vector<16xi32>,
    tpu.vector_store %arg9[%swap3A_714, %swap3A_715], %add3A_712 {strides = array<i32>} : memref<8x128xi32, #tpu.memory_space<vmem>>, vector<16xi32>,
    %swap3A_717 = arith.constant 5 : i32
    %swap3A_718 = arith.index_cast %swap3A_717 : i32 to index
    %swap3A_719 = arith.constant 64 : index
    %swap3A_720 = tpu.vector_load %arg10[%swap3A_718, %swap3A_719] {strides = array<i32>} : memref<8x128xf32, #tpu.memory_space<vmem>>, vector<16xf32>,
    tpu.vector_store %arg10[%swap3A_718, %swap3A_719], %broadcast_in_dim3A_3 {strides = array<i32>} : memref<8x128xf32, #tpu.memory_space<vmem>>, vector<16xf32>,
    %get3A_721 = arith.constant 720 : index
    %get3A_722 = tpu.vector_load %arg7[%get3A_721] {strides = array<i32>} : memref<1024xi32, #tpu.memory_space<vmem>>, vector<16xi32>,
    %mul3A_723 = arith.constant 256 : i32
    %mul3A_724 = vector.broadcast %mul3A_723 : i32 to vector<16xi32>
    %mul3A_725 = arith.muli %get3A_722, %mul3A_724 : vector<16xi32>
    %get3A_726 = arith.constant 720 : index
    %get3A_727 = tpu.vector_load %arg8[%get3A_726] {strides = array<i32>} : memref<1024xi32, #tpu.memory_space<vmem>>, vector<16xi32>,
    %add3A_728 = arith.addi %mul3A_725, %get3A_727 : vector<16xi32>
    %swap3A_729 = arith.constant 5 : i32
    %swap3A_730 = arith.index_cast %swap3A_729 : i32 to index
    %swap3A_731 = arith.constant 80 : index
    %swap3A_732 = tpu.vector_load %arg9[%swap3A_730, %swap3A_731] {strides = array<i32>} : memref<8x128xi32, #tpu.memory_space<vmem>>, vector<16xi32>,
    tpu.vector_store %arg9[%swap3A_730, %swap3A_731], %add3A_728 {strides = array<i32>} : memref<8x128xi32, #tpu.memory_space<vmem>>, vector<16xi32>,
    %swap3A_733 = arith.constant 5 : i32
    %swap3A_734 = arith.index_cast %swap3A_733 : i32 to index
    %swap3A_735 = arith.constant 80 : index
    %swap3A_736 = tpu.vector_load %arg10[%swap3A_734, %swap3A_735] {strides = array<i32>} : memref<8x128xf32, #tpu.memory_space<vmem>>, vector<16xf32>,
    tpu.vector_store %arg10[%swap3A_734, %swap3A_735], %broadcast_in_dim3A_3 {strides = array<i32>} : memref<8x128xf32, #tpu.memory_space<vmem>>, vector<16xf32>,
    %get3A_737 = arith.constant 736 : index
    %get3A_738 = tpu.vector_load %arg7[%get3A_737] {strides = array<i32>} : memref<1024xi32, #tpu.memory_space<vmem>>, vector<16xi32>,
    %mul3A_739 = arith.constant 256 : i32
    %mul3A_740 = vector.broadcast %mul3A_739 : i32 to vector<16xi32>
    %mul3A_741 = arith.muli %get3A_738, %mul3A_740 : vector<16xi32>
    %get3A_742 = arith.constant 736 : index
    %get3A_743 = tpu.vector_load %arg8[%get3A_742] {strides = array<i32>} : memref<1024xi32, #tpu.memory_space<vmem>>, vector<16xi32>,
    %add3A_744 = arith.addi %mul3A_741, %get3A_743 : vector<16xi32>
    %swap3A_745 = arith.constant 5 : i32
    %swap3A_746 = arith.index_cast %swap3A_745 : i32 to index
    %swap3A_747 = arith.constant 96 : index
    %swap3A_748 = tpu.vector_load %arg9[%swap3A_746, %swap3A_747] {strides = array<i32>} : memref<8x128xi32, #tpu.memory_space<vmem>>, vector<16xi32>,
    tpu.vector_store %arg9[%swap3A_746, %swap3A_747], %add3A_744 {strides = array<i32>} : memref<8x128xi32, #tpu.memory_space<vmem>>, vector<16xi32>,
    %swap3A_749 = arith.constant 5 : i32
    %swap3A_750 = arith.index_cast %swap3A_749 : i32 to index
    %swap3A_751 = arith.constant 96 : index
    %swap3A_752 = tpu.vector_load %arg10[%swap3A_750, %swap3A_751] {strides = array<i32>} : memref<8x128xf32, #tpu.memory_space<vmem>>, vector<16xf32>,
    tpu.vector_store %arg10[%swap3A_750, %swap3A_751], %broadcast_in_dim3A_3 {strides = array<i32>} : memref<8x128xf32, #tpu.memory_space<vmem>>, vector<16xf32>,
    %get3A_753 = arith.constant 752 : index
    %get3A_754 = tpu.vector_load %arg7[%get3A_753] {strides = array<i32>} : memref<1024xi32, #tpu.memory_space<vmem>>, vector<16xi32>,
    %mul3A_755 = arith.constant 256 : i32
    %mul3A_756 = vector.broadcast %mul3A_755 : i32 to vector<16xi32>
    %mul3A_757 = arith.muli %get3A_754, %mul3A_756 : vector<16xi32>
    %get3A_758 = arith.constant 752 : index
    %get3A_759 = tpu.vector_load %arg8[%get3A_758] {strides = array<i32>} : memref<1024xi32, #tpu.memory_space<vmem>>, vector<16xi32>,
    %add3A_760 = arith.addi %mul3A_757, %get3A_759 : vector<16xi32>
    %swap3A_761 = arith.constant 5 : i32
    %swap3A_762 = arith.index_cast %swap3A_761 : i32 to index
    %swap3A_763 = arith.constant 112 : index
    %swap3A_764 = tpu.vector_load %arg9[%swap3A_762, %swap3A_763] {strides = array<i32>} : memref<8x128xi32, #tpu.memory_space<vmem>>, vector<16xi32>,
    tpu.vector_store %arg9[%swap3A_762, %swap3A_763], %add3A_760 {strides = array<i32>} : memref<8x128xi32, #tpu.memory_space<vmem>>, vector<16xi32>,
    %swap3A_765 = arith.constant 5 : i32
    %swap3A_766 = arith.index_cast %swap3A_765 : i32 to index
    %swap3A_767 = arith.constant 112 : index
    %swap3A_768 = tpu.vector_load %arg10[%swap3A_766, %swap3A_767] {strides = array<i32>} : memref<8x128xf32, #tpu.memory_space<vmem>>, vector<16xf32>,
    tpu.vector_store %arg10[%swap3A_766, %swap3A_767], %broadcast_in_dim3A_3 {strides = array<i32>} : memref<8x128xf32, #tpu.memory_space<vmem>>, vector<16xf32>,
    %get3A_769 = arith.constant 768 : index
    %get3A_770 = tpu.vector_load %arg7[%get3A_769] {strides = array<i32>} : memref<1024xi32, #tpu.memory_space<vmem>>, vector<16xi32>,
    %mul3A_771 = arith.constant 256 : i32
    %mul3A_772 = vector.broadcast %mul3A_771 : i32 to vector<16xi32>
    %mul3A_773 = arith.muli %get3A_770, %mul3A_772 : vector<16xi32>
    %get3A_774 = arith.constant 768 : index
    %get3A_775 = tpu.vector_load %arg8[%get3A_774] {strides = array<i32>} : memref<1024xi32, #tpu.memory_space<vmem>>, vector<16xi32>,
    %add3A_776 = arith.addi %mul3A_773, %get3A_775 : vector<16xi32>
    %swap3A_777 = arith.constant 6 : i32
    %swap3A_778 = arith.index_cast %swap3A_777 : i32 to index
    %swap3A_779 = arith.constant 0 : index
    %swap3A_780 = tpu.vector_load %arg9[%swap3A_778, %swap3A_779] {strides = array<i32>} : memref<8x128xi32, #tpu.memory_space<vmem>>, vector<16xi32>,
    tpu.vector_store %arg9[%swap3A_778, %swap3A_779], %add3A_776 {strides = array<i32>} : memref<8x128xi32, #tpu.memory_space<vmem>>, vector<16xi32>,
    %swap3A_781 = arith.constant 6 : i32
    %swap3A_782 = arith.index_cast %swap3A_781 : i32 to index
    %swap3A_783 = arith.constant 0 : index
    %swap3A_784 = tpu.vector_load %arg10[%swap3A_782, %swap3A_783] {strides = array<i32>} : memref<8x128xf32, #tpu.memory_space<vmem>>, vector<16xf32>,
    tpu.vector_store %arg10[%swap3A_782, %swap3A_783], %broadcast_in_dim3A_3 {strides = array<i32>} : memref<8x128xf32, #tpu.memory_space<vmem>>, vector<16xf32>,
    %get3A_785 = arith.constant 784 : index
    %get3A_786 = tpu.vector_load %arg7[%get3A_785] {strides = array<i32>} : memref<1024xi32, #tpu.memory_space<vmem>>, vector<16xi32>,
    %mul3A_787 = arith.constant 256 : i32
    %mul3A_788 = vector.broadcast %mul3A_787 : i32 to vector<16xi32>
    %mul3A_789 = arith.muli %get3A_786, %mul3A_788 : vector<16xi32>
    %get3A_790 = arith.constant 784 : index
    %get3A_791 = tpu.vector_load %arg8[%get3A_790] {strides = array<i32>} : memref<1024xi32, #tpu.memory_space<vmem>>, vector<16xi32>,
    %add3A_792 = arith.addi %mul3A_789, %get3A_791 : vector<16xi32>
    %swap3A_793 = arith.constant 6 : i32
    %swap3A_794 = arith.index_cast %swap3A_793 : i32 to index
    %swap3A_795 = arith.constant 16 : index
    %swap3A_796 = tpu.vector_load %arg9[%swap3A_794, %swap3A_795] {strides = array<i32>} : memref<8x128xi32, #tpu.memory_space<vmem>>, vector<16xi32>,
    tpu.vector_store %arg9[%swap3A_794, %swap3A_795], %add3A_792 {strides = array<i32>} : memref<8x128xi32, #tpu.memory_space<vmem>>, vector<16xi32>,
    %swap3A_797 = arith.constant 6 : i32
    %swap3A_798 = arith.index_cast %swap3A_797 : i32 to index
    %swap3A_799 = arith.constant 16 : index
    %swap3A_800 = tpu.vector_load %arg10[%swap3A_798, %swap3A_799] {strides = array<i32>} : memref<8x128xf32, #tpu.memory_space<vmem>>, vector<16xf32>,
    tpu.vector_store %arg10[%swap3A_798, %swap3A_799], %broadcast_in_dim3A_3 {strides = array<i32>} : memref<8x128xf32, #tpu.memory_space<vmem>>, vector<16xf32>,
    %get3A_801 = arith.constant 800 : index
    %get3A_802 = tpu.vector_load %arg7[%get3A_801] {strides = array<i32>} : memref<1024xi32, #tpu.memory_space<vmem>>, vector<16xi32>,
    %mul3A_803 = arith.constant 256 : i32
    %mul3A_804 = vector.broadcast %mul3A_803 : i32 to vector<16xi32>
    %mul3A_805 = arith.muli %get3A_802, %mul3A_804 : vector<16xi32>
    %get3A_806 = arith.constant 800 : index
    %get3A_807 = tpu.vector_load %arg8[%get3A_806] {strides = array<i32>} : memref<1024xi32, #tpu.memory_space<vmem>>, vector<16xi32>,
    %add3A_808 = arith.addi %mul3A_805, %get3A_807 : vector<16xi32>
    %swap3A_809 = arith.constant 6 : i32
    %swap3A_810 = arith.index_cast %swap3A_809 : i32 to index
    %swap3A_811 = arith.constant 32 : index
    %swap3A_812 = tpu.vector_load %arg9[%swap3A_810, %swap3A_811] {strides = array<i32>} : memref<8x128xi32, #tpu.memory_space<vmem>>, vector<16xi32>,
    tpu.vector_store %arg9[%swap3A_810, %swap3A_811], %add3A_808 {strides = array<i32>} : memref<8x128xi32, #tpu.memory_space<vmem>>, vector<16xi32>,
    %swap3A_813 = arith.constant 6 : i32
    %swap3A_814 = arith.index_cast %swap3A_813 : i32 to index
    %swap3A_815 = arith.constant 32 : index
    %swap3A_816 = tpu.vector_load %arg10[%swap3A_814, %swap3A_815] {strides = array<i32>} : memref<8x128xf32, #tpu.memory_space<vmem>>, vector<16xf32>,
    tpu.vector_store %arg10[%swap3A_814, %swap3A_815], %broadcast_in_dim3A_3 {strides = array<i32>} : memref<8x128xf32, #tpu.memory_space<vmem>>, vector<16xf32>,
    %get3A_817 = arith.constant 816 : index
    %get3A_818 = tpu.vector_load %arg7[%get3A_817] {strides = array<i32>} : memref<1024xi32, #tpu.memory_space<vmem>>, vector<16xi32>,
    %mul3A_819 = arith.constant 256 : i32
    %mul3A_820 = vector.broadcast %mul3A_819 : i32 to vector<16xi32>
    %mul3A_821 = arith.muli %get3A_818, %mul3A_820 : vector<16xi32>
    %get3A_822 = arith.constant 816 : index
    %get3A_823 = tpu.vector_load %arg8[%get3A_822] {strides = array<i32>} : memref<1024xi32, #tpu.memory_space<vmem>>, vector<16xi32>,
    %add3A_824 = arith.addi %mul3A_821, %get3A_823 : vector<16xi32>
    %swap3A_825 = arith.constant 6 : i32
    %swap3A_826 = arith.index_cast %swap3A_825 : i32 to index
    %swap3A_827 = arith.constant 48 : index
    %swap3A_828 = tpu.vector_load %arg9[%swap3A_826, %swap3A_827] {strides = array<i32>} : memref<8x128xi32, #tpu.memory_space<vmem>>, vector<16xi32>,
    tpu.vector_store %arg9[%swap3A_826, %swap3A_827], %add3A_824 {strides = array<i32>} : memref<8x128xi32, #tpu.memory_space<vmem>>, vector<16xi32>,
    %swap3A_829 = arith.constant 6 : i32
    %swap3A_830 = arith.index_cast %swap3A_829 : i32 to index
    %swap3A_831 = arith.constant 48 : index
    %swap3A_832 = tpu.vector_load %arg10[%swap3A_830, %swap3A_831] {strides = array<i32>} : memref<8x128xf32, #tpu.memory_space<vmem>>, vector<16xf32>,
    tpu.vector_store %arg10[%swap3A_830, %swap3A_831], %broadcast_in_dim3A_3 {strides = array<i32>} : memref<8x128xf32, #tpu.memory_space<vmem>>, vector<16xf32>,
    %get3A_833 = arith.constant 832 : index
    %get3A_834 = tpu.vector_load %arg7[%get3A_833] {strides = array<i32>} : memref<1024xi32, #tpu.memory_space<vmem>>, vector<16xi32>,
    %mul3A_835 = arith.constant 256 : i32
    %mul3A_836 = vector.broadcast %mul3A_835 : i32 to vector<16xi32>
    %mul3A_837 = arith.muli %get3A_834, %mul3A_836 : vector<16xi32>
    %get3A_838 = arith.constant 832 : index
    %get3A_839 = tpu.vector_load %arg8[%get3A_838] {strides = array<i32>} : memref<1024xi32, #tpu.memory_space<vmem>>, vector<16xi32>,
    %add3A_840 = arith.addi %mul3A_837, %get3A_839 : vector<16xi32>
    %swap3A_841 = arith.constant 6 : i32
    %swap3A_842 = arith.index_cast %swap3A_841 : i32 to index
    %swap3A_843 = arith.constant 64 : index
    %swap3A_844 = tpu.vector_load %arg9[%swap3A_842, %swap3A_843] {strides = array<i32>} : memref<8x128xi32, #tpu.memory_space<vmem>>, vector<16xi32>,
    tpu.vector_store %arg9[%swap3A_842, %swap3A_843], %add3A_840 {strides = array<i32>} : memref<8x128xi32, #tpu.memory_space<vmem>>, vector<16xi32>,
    %swap3A_845 = arith.constant 6 : i32
    %swap3A_846 = arith.index_cast %swap3A_845 : i32 to index
    %swap3A_847 = arith.constant 64 : index
    %swap3A_848 = tpu.vector_load %arg10[%swap3A_846, %swap3A_847] {strides = array<i32>} : memref<8x128xf32, #tpu.memory_space<vmem>>, vector<16xf32>,
    tpu.vector_store %arg10[%swap3A_846, %swap3A_847], %broadcast_in_dim3A_3 {strides = array<i32>} : memref<8x128xf32, #tpu.memory_space<vmem>>, vector<16xf32>,
    %get3A_849 = arith.constant 848 : index
    %get3A_850 = tpu.vector_load %arg7[%get3A_849] {strides = array<i32>} : memref<1024xi32, #tpu.memory_space<vmem>>, vector<16xi32>,
    %mul3A_851 = arith.constant 256 : i32
    %mul3A_852 = vector.broadcast %mul3A_851 : i32 to vector<16xi32>
    %mul3A_853 = arith.muli %get3A_850, %mul3A_852 : vector<16xi32>
    %get3A_854 = arith.constant 848 : index
    %get3A_855 = tpu.vector_load %arg8[%get3A_854] {strides = array<i32>} : memref<1024xi32, #tpu.memory_space<vmem>>, vector<16xi32>,
    %add3A_856 = arith.addi %mul3A_853, %get3A_855 : vector<16xi32>
    %swap3A_857 = arith.constant 6 : i32
    %swap3A_858 = arith.index_cast %swap3A_857 : i32 to index
    %swap3A_859 = arith.constant 80 : index
    %swap3A_860 = tpu.vector_load %arg9[%swap3A_858, %swap3A_859] {strides = array<i32>} : memref<8x128xi32, #tpu.memory_space<vmem>>, vector<16xi32>,
    tpu.vector_store %arg9[%swap3A_858, %swap3A_859], %add3A_856 {strides = array<i32>} : memref<8x128xi32, #tpu.memory_space<vmem>>, vector<16xi32>,
    %swap3A_861 = arith.constant 6 : i32
    %swap3A_862 = arith.index_cast %swap3A_861 : i32 to index
    %swap3A_863 = arith.constant 80 : index
    %swap3A_864 = tpu.vector_load %arg10[%swap3A_862, %swap3A_863] {strides = array<i32>} : memref<8x128xf32, #tpu.memory_space<vmem>>, vector<16xf32>,
    tpu.vector_store %arg10[%swap3A_862, %swap3A_863], %broadcast_in_dim3A_3 {strides = array<i32>} : memref<8x128xf32, #tpu.memory_space<vmem>>, vector<16xf32>,
    %get3A_865 = arith.constant 864 : index
    %get3A_866 = tpu.vector_load %arg7[%get3A_865] {strides = array<i32>} : memref<1024xi32, #tpu.memory_space<vmem>>, vector<16xi32>,
    %mul3A_867 = arith.constant 256 : i32
    %mul3A_868 = vector.broadcast %mul3A_867 : i32 to vector<16xi32>
    %mul3A_869 = arith.muli %get3A_866, %mul3A_868 : vector<16xi32>
    %get3A_870 = arith.constant 864 : index
    %get3A_871 = tpu.vector_load %arg8[%get3A_870] {strides = array<i32>} : memref<1024xi32, #tpu.memory_space<vmem>>, vector<16xi32>,
    %add3A_872 = arith.addi %mul3A_869, %get3A_871 : vector<16xi32>
    %swap3A_873 = arith.constant 6 : i32
    %swap3A_874 = arith.index_cast %swap3A_873 : i32 to index
    %swap3A_875 = arith.constant 96 : index
    %swap3A_876 = tpu.vector_load %arg9[%swap3A_874, %swap3A_875] {strides = array<i32>} : memref<8x128xi32, #tpu.memory_space<vmem>>, vector<16xi32>,
    tpu.vector_store %arg9[%swap3A_874, %swap3A_875], %add3A_872 {strides = array<i32>} : memref<8x128xi32, #tpu.memory_space<vmem>>, vector<16xi32>,
    %swap3A_877 = arith.constant 6 : i32
    %swap3A_878 = arith.index_cast %swap3A_877 : i32 to index
    %swap3A_879 = arith.constant 96 : index
    %swap3A_880 = tpu.vector_load %arg10[%swap3A_878, %swap3A_879] {strides = array<i32>} : memref<8x128xf32, #tpu.memory_space<vmem>>, vector<16xf32>,
    tpu.vector_store %arg10[%swap3A_878, %swap3A_879], %broadcast_in_dim3A_3 {strides = array<i32>} : memref<8x128xf32, #tpu.memory_space<vmem>>, vector<16xf32>,
    %get3A_881 = arith.constant 880 : index
    %get3A_882 = tpu.vector_load %arg7[%get3A_881] {strides = array<i32>} : memref<1024xi32, #tpu.memory_space<vmem>>, vector<16xi32>,
    %mul3A_883 = arith.constant 256 : i32
    %mul3A_884 = vector.broadcast %mul3A_883 : i32 to vector<16xi32>
    %mul3A_885 = arith.muli %get3A_882, %mul3A_884 : vector<16xi32>
    %get3A_886 = arith.constant 880 : index
    %get3A_887 = tpu.vector_load %arg8[%get3A_886] {strides = array<i32>} : memref<1024xi32, #tpu.memory_space<vmem>>, vector<16xi32>,
    %add3A_888 = arith.addi %mul3A_885, %get3A_887 : vector<16xi32>
    %swap3A_889 = arith.constant 6 : i32
    %swap3A_890 = arith.index_cast %swap3A_889 : i32 to index
    %swap3A_891 = arith.constant 112 : index
    %swap3A_892 = tpu.vector_load %arg9[%swap3A_890, %swap3A_891] {strides = array<i32>} : memref<8x128xi32, #tpu.memory_space<vmem>>, vector<16xi32>,
    tpu.vector_store %arg9[%swap3A_890, %swap3A_891], %add3A_888 {strides = array<i32>} : memref<8x128xi32, #tpu.memory_space<vmem>>, vector<16xi32>,
    %swap3A_893 = arith.constant 6 : i32
    %swap3A_894 = arith.index_cast %swap3A_893 : i32 to index
    %swap3A_895 = arith.constant 112 : index
    %swap3A_896 = tpu.vector_load %arg10[%swap3A_894, %swap3A_895] {strides = array<i32>} : memref<8x128xf32, #tpu.memory_space<vmem>>, vector<16xf32>,
    tpu.vector_store %arg10[%swap3A_894, %swap3A_895], %broadcast_in_dim3A_3 {strides = array<i32>} : memref<8x128xf32, #tpu.memory_space<vmem>>, vector<16xf32>,
    %get3A_897 = arith.constant 896 : index
    %get3A_898 = tpu.vector_load %arg7[%get3A_897] {strides = array<i32>} : memref<1024xi32, #tpu.memory_space<vmem>>, vector<16xi32>,
    %mul3A_899 = arith.constant 256 : i32
    %mul3A_900 = vector.broadcast %mul3A_899 : i32 to vector<16xi32>
    %mul3A_901 = arith.muli %get3A_898, %mul3A_900 : vector<16xi32>
    %get3A_902 = arith.constant 896 : index
    %get3A_903 = tpu.vector_load %arg8[%get3A_902] {strides = array<i32>} : memref<1024xi32, #tpu.memory_space<vmem>>, vector<16xi32>,
    %add3A_904 = arith.addi %mul3A_901, %get3A_903 : vector<16xi32>
    %swap3A_905 = arith.constant 7 : i32
    %swap3A_906 = arith.index_cast %swap3A_905 : i32 to index
    %swap3A_907 = arith.constant 0 : index
    %swap3A_908 = tpu.vector_load %arg9[%swap3A_906, %swap3A_907] {strides = array<i32>} : memref<8x128xi32, #tpu.memory_space<vmem>>, vector<16xi32>,
    tpu.vector_store %arg9[%swap3A_906, %swap3A_907], %add3A_904 {strides = array<i32>} : memref<8x128xi32, #tpu.memory_space<vmem>>, vector<16xi32>,
    %swap3A_909 = arith.constant 7 : i32
    %swap3A_910 = arith.index_cast %swap3A_909 : i32 to index
    %swap3A_911 = arith.constant 0 : index
    %swap3A_912 = tpu.vector_load %arg10[%swap3A_910, %swap3A_911] {strides = array<i32>} : memref<8x128xf32, #tpu.memory_space<vmem>>, vector<16xf32>,
    tpu.vector_store %arg10[%swap3A_910, %swap3A_911], %broadcast_in_dim3A_3 {strides = array<i32>} : memref<8x128xf32, #tpu.memory_space<vmem>>, vector<16xf32>,
    %get3A_913 = arith.constant 912 : index
    %get3A_914 = tpu.vector_load %arg7[%get3A_913] {strides = array<i32>} : memref<1024xi32, #tpu.memory_space<vmem>>, vector<16xi32>,
    %mul3A_915 = arith.constant 256 : i32
    %mul3A_916 = vector.broadcast %mul3A_915 : i32 to vector<16xi32>
    %mul3A_917 = arith.muli %get3A_914, %mul3A_916 : vector<16xi32>
    %get3A_918 = arith.constant 912 : index
    %get3A_919 = tpu.vector_load %arg8[%get3A_918] {strides = array<i32>} : memref<1024xi32, #tpu.memory_space<vmem>>, vector<16xi32>,
    %add3A_920 = arith.addi %mul3A_917, %get3A_919 : vector<16xi32>
    %swap3A_921 = arith.constant 7 : i32
    %swap3A_922 = arith.index_cast %swap3A_921 : i32 to index
    %swap3A_923 = arith.constant 16 : index
    %swap3A_924 = tpu.vector_load %arg9[%swap3A_922, %swap3A_923] {strides = array<i32>} : memref<8x128xi32, #tpu.memory_space<vmem>>, vector<16xi32>,
    tpu.vector_store %arg9[%swap3A_922, %swap3A_923], %add3A_920 {strides = array<i32>} : memref<8x128xi32, #tpu.memory_space<vmem>>, vector<16xi32>,
    %swap3A_925 = arith.constant 7 : i32
    %swap3A_926 = arith.index_cast %swap3A_925 : i32 to index
    %swap3A_927 = arith.constant 16 : index
    %swap3A_928 = tpu.vector_load %arg10[%swap3A_926, %swap3A_927] {strides = array<i32>} : memref<8x128xf32, #tpu.memory_space<vmem>>, vector<16xf32>,
    tpu.vector_store %arg10[%swap3A_926, %swap3A_927], %broadcast_in_dim3A_3 {strides = array<i32>} : memref<8x128xf32, #tpu.memory_space<vmem>>, vector<16xf32>,
    %get3A_929 = arith.constant 928 : index
    %get3A_930 = tpu.vector_load %arg7[%get3A_929] {strides = array<i32>} : memref<1024xi32, #tpu.memory_space<vmem>>, vector<16xi32>,
    %mul3A_931 = arith.constant 256 : i32
    %mul3A_932 = vector.broadcast %mul3A_931 : i32 to vector<16xi32>
    %mul3A_933 = arith.muli %get3A_930, %mul3A_932 : vector<16xi32>
    %get3A_934 = arith.constant 928 : index
    %get3A_935 = tpu.vector_load %arg8[%get3A_934] {strides = array<i32>} : memref<1024xi32, #tpu.memory_space<vmem>>, vector<16xi32>,
    %add3A_936 = arith.addi %mul3A_933, %get3A_935 : vector<16xi32>
    %swap3A_937 = arith.constant 7 : i32
    %swap3A_938 = arith.index_cast %swap3A_937 : i32 to index
    %swap3A_939 = arith.constant 32 : index
    %swap3A_940 = tpu.vector_load %arg9[%swap3A_938, %swap3A_939] {strides = array<i32>} : memref<8x128xi32, #tpu.memory_space<vmem>>, vector<16xi32>,
    tpu.vector_store %arg9[%swap3A_938, %swap3A_939], %add3A_936 {strides = array<i32>} : memref<8x128xi32, #tpu.memory_space<vmem>>, vector<16xi32>,
    %swap3A_941 = arith.constant 7 : i32
    %swap3A_942 = arith.index_cast %swap3A_941 : i32 to index
    %swap3A_943 = arith.constant 32 : index
    %swap3A_944 = tpu.vector_load %arg10[%swap3A_942, %swap3A_943] {strides = array<i32>} : memref<8x128xf32, #tpu.memory_space<vmem>>, vector<16xf32>,
    tpu.vector_store %arg10[%swap3A_942, %swap3A_943], %broadcast_in_dim3A_3 {strides = array<i32>} : memref<8x128xf32, #tpu.memory_space<vmem>>, vector<16xf32>,
    %get3A_945 = arith.constant 944 : index
    %get3A_946 = tpu.vector_load %arg7[%get3A_945] {strides = array<i32>} : memref<1024xi32, #tpu.memory_space<vmem>>, vector<16xi32>,
    %mul3A_947 = arith.constant 256 : i32
    %mul3A_948 = vector.broadcast %mul3A_947 : i32 to vector<16xi32>
    %mul3A_949 = arith.muli %get3A_946, %mul3A_948 : vector<16xi32>
    %get3A_950 = arith.constant 944 : index
    %get3A_951 = tpu.vector_load %arg8[%get3A_950] {strides = array<i32>} : memref<1024xi32, #tpu.memory_space<vmem>>, vector<16xi32>,
    %add3A_952 = arith.addi %mul3A_949, %get3A_951 : vector<16xi32>
    %swap3A_953 = arith.constant 7 : i32
    %swap3A_954 = arith.index_cast %swap3A_953 : i32 to index
    %swap3A_955 = arith.constant 48 : index
    %swap3A_956 = tpu.vector_load %arg9[%swap3A_954, %swap3A_955] {strides = array<i32>} : memref<8x128xi32, #tpu.memory_space<vmem>>, vector<16xi32>,
    tpu.vector_store %arg9[%swap3A_954, %swap3A_955], %add3A_952 {strides = array<i32>} : memref<8x128xi32, #tpu.memory_space<vmem>>, vector<16xi32>,
    %swap3A_957 = arith.constant 7 : i32
    %swap3A_958 = arith.index_cast %swap3A_957 : i32 to index
    %swap3A_959 = arith.constant 48 : index
    %swap3A_960 = tpu.vector_load %arg10[%swap3A_958, %swap3A_959] {strides = array<i32>} : memref<8x128xf32, #tpu.memory_space<vmem>>, vector<16xf32>,
    tpu.vector_store %arg10[%swap3A_958, %swap3A_959], %broadcast_in_dim3A_3 {strides = array<i32>} : memref<8x128xf32, #tpu.memory_space<vmem>>, vector<16xf32>,
    %get3A_961 = arith.constant 960 : index
    %get3A_962 = tpu.vector_load %arg7[%get3A_961] {strides = array<i32>} : memref<1024xi32, #tpu.memory_space<vmem>>, vector<16xi32>,
    %mul3A_963 = arith.constant 256 : i32
    %mul3A_964 = vector.broadcast %mul3A_963 : i32 to vector<16xi32>
    %mul3A_965 = arith.muli %get3A_962, %mul3A_964 : vector<16xi32>
    %get3A_966 = arith.constant 960 : index
    %get3A_967 = tpu.vector_load %arg8[%get3A_966] {strides = array<i32>} : memref<1024xi32, #tpu.memory_space<vmem>>, vector<16xi32>,
    %add3A_968 = arith.addi %mul3A_965, %get3A_967 : vector<16xi32>
    %swap3A_969 = arith.constant 7 : i32
    %swap3A_970 = arith.index_cast %swap3A_969 : i32 to index
    %swap3A_971 = arith.constant 64 : index
    %swap3A_972 = tpu.vector_load %arg9[%swap3A_970, %swap3A_971] {strides = array<i32>} : memref<8x128xi32, #tpu.memory_space<vmem>>, vector<16xi32>,
    tpu.vector_store %arg9[%swap3A_970, %swap3A_971], %add3A_968 {strides = array<i32>} : memref<8x128xi32, #tpu.memory_space<vmem>>, vector<16xi32>,
    %swap3A_973 = arith.constant 7 : i32
    %swap3A_974 = arith.index_cast %swap3A_973 : i32 to index
    %swap3A_975 = arith.constant 64 : index
    %swap3A_976 = tpu.vector_load %arg10[%swap3A_974, %swap3A_975] {strides = array<i32>} : memref<8x128xf32, #tpu.memory_space<vmem>>, vector<16xf32>,
    tpu.vector_store %arg10[%swap3A_974, %swap3A_975], %broadcast_in_dim3A_3 {strides = array<i32>} : memref<8x128xf32, #tpu.memory_space<vmem>>, vector<16xf32>,
    %get3A_977 = arith.constant 976 : index
    %get3A_978 = tpu.vector_load %arg7[%get3A_977] {strides = array<i32>} : memref<1024xi32, #tpu.memory_space<vmem>>, vector<16xi32>,
    %mul3A_979 = arith.constant 256 : i32
    %mul3A_980 = vector.broadcast %mul3A_979 : i32 to vector<16xi32>
    %mul3A_981 = arith.muli %get3A_978, %mul3A_980 : vector<16xi32>
    %get3A_982 = arith.constant 976 : index
    %get3A_983 = tpu.vector_load %arg8[%get3A_982] {strides = array<i32>} : memref<1024xi32, #tpu.memory_space<vmem>>, vector<16xi32>,
    %add3A_984 = arith.addi %mul3A_981, %get3A_983 : vector<16xi32>
    %swap3A_985 = arith.constant 7 : i32
    %swap3A_986 = arith.index_cast %swap3A_985 : i32 to index
    %swap3A_987 = arith.constant 80 : index
    %swap3A_988 = tpu.vector_load %arg9[%swap3A_986, %swap3A_987] {strides = array<i32>} : memref<8x128xi32, #tpu.memory_space<vmem>>, vector<16xi32>,
    tpu.vector_store %arg9[%swap3A_986, %swap3A_987], %add3A_984 {strides = array<i32>} : memref<8x128xi32, #tpu.memory_space<vmem>>, vector<16xi32>,
    %swap3A_989 = arith.constant 7 : i32
    %swap3A_990 = arith.index_cast %swap3A_989 : i32 to index
    %swap3A_991 = arith.constant 80 : index
    %swap3A_992 = tpu.vector_load %arg10[%swap3A_990, %swap3A_991] {strides = array<i32>} : memref<8x128xf32, #tpu.memory_space<vmem>>, vector<16xf32>,
    tpu.vector_store %arg10[%swap3A_990, %swap3A_991], %broadcast_in_dim3A_3 {strides = array<i32>} : memref<8x128xf32, #tpu.memory_space<vmem>>, vector<16xf32>,
    %get3A_993 = arith.constant 992 : index
    %get3A_994 = tpu.vector_load %arg7[%get3A_993] {strides = array<i32>} : memref<1024xi32, #tpu.memory_space<vmem>>, vector<16xi32>,
    %mul3A_995 = arith.constant 256 : i32
    %mul3A_996 = vector.broadcast %mul3A_995 : i32 to vector<16xi32>
    %mul3A_997 = arith.muli %get3A_994, %mul3A_996 : vector<16xi32>
    %get3A_998 = arith.constant 992 : index
    %get3A_999 = tpu.vector_load %arg8[%get3A_998] {strides = array<i32>} : memref<1024xi32, #tpu.memory_space<vmem>>, vector<16xi32>,
    %add3A_1000 = arith.addi %mul3A_997, %get3A_999 : vector<16xi32>
    %swap3A_1001 = arith.constant 7 : i32
    %swap3A_1002 = arith.index_cast %swap3A_1001 : i32 to index
    %swap3A_1003 = arith.constant 96 : index
    %swap3A_1004 = tpu.vector_load %arg9[%swap3A_1002, %swap3A_1003] {strides = array<i32>} : memref<8x128xi32, #tpu.memory_space<vmem>>, vector<16xi32>,
    tpu.vector_store %arg9[%swap3A_1002, %swap3A_1003], %add3A_1000 {strides = array<i32>} : memref<8x128xi32, #tpu.memory_space<vmem>>, vector<16xi32>,
    %swap3A_1005 = arith.constant 7 : i32
    %swap3A_1006 = arith.index_cast %swap3A_1005 : i32 to index
    %swap3A_1007 = arith.constant 96 : index
    %swap3A_1008 = tpu.vector_load %arg10[%swap3A_1006, %swap3A_1007] {strides = array<i32>} : memref<8x128xf32, #tpu.memory_space<vmem>>, vector<16xf32>,
    tpu.vector_store %arg10[%swap3A_1006, %swap3A_1007], %broadcast_in_dim3A_3 {strides = array<i32>} : memref<8x128xf32, #tpu.memory_space<vmem>>, vector<16xf32>,
    %get3A_1009 = arith.constant 1008 : index
    %get3A_1010 = tpu.vector_load %arg7[%get3A_1009] {strides = array<i32>} : memref<1024xi32, #tpu.memory_space<vmem>>, vector<16xi32>,
    %mul3A_1011 = arith.constant 256 : i32
    %mul3A_1012 = vector.broadcast %mul3A_1011 : i32 to vector<16xi32>
    %mul3A_1013 = arith.muli %get3A_1010, %mul3A_1012 : vector<16xi32>
    %get3A_1014 = arith.constant 1008 : index
    %get3A_1015 = tpu.vector_load %arg8[%get3A_1014] {strides = array<i32>} : memref<1024xi32, #tpu.memory_space<vmem>>, vector<16xi32>,
    %add3A_1016 = arith.addi %mul3A_1013, %get3A_1015 : vector<16xi32>
    %swap3A_1017 = arith.constant 7 : i32
    %swap3A_1018 = arith.index_cast %swap3A_1017 : i32 to index
    %swap3A_1019 = arith.constant 112 : index
    %swap3A_1020 = tpu.vector_load %arg9[%swap3A_1018, %swap3A_1019] {strides = array<i32>} : memref<8x128xi32, #tpu.memory_space<vmem>>, vector<16xi32>,
    tpu.vector_store %arg9[%swap3A_1018, %swap3A_1019], %add3A_1016 {strides = array<i32>} : memref<8x128xi32, #tpu.memory_space<vmem>>, vector<16xi32>,
    %swap3A_1021 = arith.constant 7 : i32
    %swap3A_1022 = arith.index_cast %swap3A_1021 : i32 to index
    %swap3A_1023 = arith.constant 112 : index
    %swap3A_1024 = tpu.vector_load %arg10[%swap3A_1022, %swap3A_1023] {strides = array<i32>} : memref<8x128xf32, #tpu.memory_space<vmem>>, vector<16xf32>,
    tpu.vector_store %arg10[%swap3A_1022, %swap3A_1023], %broadcast_in_dim3A_3 {strides = array<i32>} : memref<8x128xf32, #tpu.memory_space<vmem>>, vector<16xf32>,
    %barrier3A = arith.constant 0 : index
    tpu.barrier barrier_id(%barrier3A)
    %run_scoped3A = arith.constant 0 : i32
    %run_scoped3A_1025 = arith.constant 0 : i32
    "tpu.region"() ({
      %run_scoped3A_1046 = tpu.sem_alloc : memref<!tpu.dma_semaphore, #tpu.memory_space<semaphore_mem>>
      %dma_start3A = arith.constant 0 : i32
      %dma_start3A_1047 = tpu.memref_slice %arg10[%run_scoped3A, %dma_start3A] : memref<8x128xf32, #tpu.memory_space<vmem>> -> memref<1x128xf32, #tpu.memory_space<vmem>>
      %dma_start3A_1048 = tpu.memref_squeeze %dma_start3A_1047 : memref<1x128xf32, #tpu.memory_space<vmem>> -> memref<128xf32, #tpu.memory_space<vmem>>
      %dma_start3A_1049 = arith.constant 0 : i32
      %dma_start3A_1050 = tpu.memref_slice %arg9[%run_scoped3A_1025, %dma_start3A_1049] : memref<8x128xi32, #tpu.memory_space<vmem>> -> memref<1x128xi32, #tpu.memory_space<vmem>>
      %dma_start3A_1051 = tpu.memref_squeeze %dma_start3A_1050 : memref<1x128xi32, #tpu.memory_space<vmem>> -> memref<128xi32, #tpu.memory_space<vmem>>
      %dma_start3A_1052 = arith.constant 0 : i32
      %dma_start3A_1053 = tpu.memref_slice %arg6[%dma_start3A_1052] : memref<65792xf32, #tpu.memory_space<vmem_shared>> -> memref<65792xf32, #tpu.memory_space<vmem_shared>>
      tpu.enqueue_indirect_dma source(%dma_start3A_1048 : memref<128xf32, #tpu.memory_space<vmem>>) target(%dma_start3A_1053 : memref<65792xf32, #tpu.memory_space<vmem_shared>>) offsets(%dma_start3A_1051 : memref<128xi32, #tpu.memory_space<vmem>>) semaphore(%run_scoped3A_1046 : memref<!tpu.dma_semaphore, #tpu.memory_space<semaphore_mem>>) {add = true}
      %dma_wait3A = arith.constant 0 : i32
      %dma_wait3A_1054 = tpu.memref_slice %arg10[%run_scoped3A, %dma_wait3A] : memref<8x128xf32, #tpu.memory_space<vmem>> -> memref<1x128xf32, #tpu.memory_space<vmem>>
      %dma_wait3A_1055 = tpu.memref_squeeze %dma_wait3A_1054 : memref<1x128xf32, #tpu.memory_space<vmem>> -> memref<128xf32, #tpu.memory_space<vmem>>
      %dma_wait3A_1056 = arith.constant 0 : i32
      %dma_wait3A_1057 = tpu.memref_slice %arg9[%run_scoped3A_1025, %dma_wait3A_1056] : memref<8x128xi32, #tpu.memory_space<vmem>> -> memref<1x128xi32, #tpu.memory_space<vmem>>
      %dma_wait3A_1058 = tpu.memref_squeeze %dma_wait3A_1057 : memref<1x128xi32, #tpu.memory_space<vmem>> -> memref<128xi32, #tpu.memory_space<vmem>>
      %dma_wait3A_1059 = arith.constant 0 : i32
      %dma_wait3A_1060 = tpu.memref_slice %arg6[%dma_wait3A_1059] : memref<65792xf32, #tpu.memory_space<vmem_shared>> -> memref<65792xf32, #tpu.memory_space<vmem_shared>>
      tpu.wait_indirect_dma semaphore(%run_scoped3A_1046 : memref<!tpu.dma_semaphore, #tpu.memory_space<semaphore_mem>>) src(%dma_wait3A_1055 : memref<128xf32, #tpu.memory_space<vmem>>) dst(%dma_wait3A_1060 : memref<65792xf32, #tpu.memory_space<vmem_shared>>)
      tpu.yield
    }) : () -> ()
    %run_scoped3A_1026 = arith.constant 1 : i32
    %run_scoped3A_1027 = arith.constant 1 : i32
    "tpu.region"() ({
      %run_scoped3A_1046 = tpu.sem_alloc : memref<!tpu.dma_semaphore, #tpu.memory_space<semaphore_mem>>
      %dma_start3A = arith.constant 0 : i32
      %dma_start3A_1047 = tpu.memref_slice %arg10[%run_scoped3A_1026, %dma_start3A] : memref<8x128xf32, #tpu.memory_space<vmem>> -> memref<1x128xf32, #tpu.memory_space<vmem>>
      %dma_start3A_1048 = tpu.memref_squeeze %dma_start3A_1047 : memref<1x128xf32, #tpu.memory_space<vmem>> -> memref<128xf32, #tpu.memory_space<vmem>>
      %dma_start3A_1049 = arith.constant 0 : i32
      %dma_start3A_1050 = tpu.memref_slice %arg9[%run_scoped3A_1027, %dma_start3A_1049] : memref<8x128xi32, #tpu.memory_space<vmem>> -> memref<1x128xi32, #tpu.memory_space<vmem>>
      %dma_start3A_1051 = tpu.memref_squeeze %dma_start3A_1050 : memref<1x128xi32, #tpu.memory_space<vmem>> -> memref<128xi32, #tpu.memory_space<vmem>>
      %dma_start3A_1052 = arith.constant 0 : i32
      %dma_start3A_1053 = tpu.memref_slice %arg6[%dma_start3A_1052] : memref<65792xf32, #tpu.memory_space<vmem_shared>> -> memref<65792xf32, #tpu.memory_space<vmem_shared>>
      tpu.enqueue_indirect_dma source(%dma_start3A_1048 : memref<128xf32, #tpu.memory_space<vmem>>) target(%dma_start3A_1053 : memref<65792xf32, #tpu.memory_space<vmem_shared>>) offsets(%dma_start3A_1051 : memref<128xi32, #tpu.memory_space<vmem>>) semaphore(%run_scoped3A_1046 : memref<!tpu.dma_semaphore, #tpu.memory_space<semaphore_mem>>) {add = true}
      %dma_wait3A = arith.constant 0 : i32
      %dma_wait3A_1054 = tpu.memref_slice %arg10[%run_scoped3A_1026, %dma_wait3A] : memref<8x128xf32, #tpu.memory_space<vmem>> -> memref<1x128xf32, #tpu.memory_space<vmem>>
      %dma_wait3A_1055 = tpu.memref_squeeze %dma_wait3A_1054 : memref<1x128xf32, #tpu.memory_space<vmem>> -> memref<128xf32, #tpu.memory_space<vmem>>
      %dma_wait3A_1056 = arith.constant 0 : i32
      %dma_wait3A_1057 = tpu.memref_slice %arg9[%run_scoped3A_1027, %dma_wait3A_1056] : memref<8x128xi32, #tpu.memory_space<vmem>> -> memref<1x128xi32, #tpu.memory_space<vmem>>
      %dma_wait3A_1058 = tpu.memref_squeeze %dma_wait3A_1057 : memref<1x128xi32, #tpu.memory_space<vmem>> -> memref<128xi32, #tpu.memory_space<vmem>>
      %dma_wait3A_1059 = arith.constant 0 : i32
      %dma_wait3A_1060 = tpu.memref_slice %arg6[%dma_wait3A_1059] : memref<65792xf32, #tpu.memory_space<vmem_shared>> -> memref<65792xf32, #tpu.memory_space<vmem_shared>>
      tpu.wait_indirect_dma semaphore(%run_scoped3A_1046 : memref<!tpu.dma_semaphore, #tpu.memory_space<semaphore_mem>>) src(%dma_wait3A_1055 : memref<128xf32, #tpu.memory_space<vmem>>) dst(%dma_wait3A_1060 : memref<65792xf32, #tpu.memory_space<vmem_shared>>)
      tpu.yield
    }) : () -> ()
    %run_scoped3A_1028 = arith.constant 2 : i32
    %run_scoped3A_1029 = arith.constant 2 : i32
    "tpu.region"() ({
      %run_scoped3A_1046 = tpu.sem_alloc : memref<!tpu.dma_semaphore, #tpu.memory_space<semaphore_mem>>
      %dma_start3A = arith.constant 0 : i32
      %dma_start3A_1047 = tpu.memref_slice %arg10[%run_scoped3A_1028, %dma_start3A] : memref<8x128xf32, #tpu.memory_space<vmem>> -> memref<1x128xf32, #tpu.memory_space<vmem>>
      %dma_start3A_1048 = tpu.memref_squeeze %dma_start3A_1047 : memref<1x128xf32, #tpu.memory_space<vmem>> -> memref<128xf32, #tpu.memory_space<vmem>>
      %dma_start3A_1049 = arith.constant 0 : i32
      %dma_start3A_1050 = tpu.memref_slice %arg9[%run_scoped3A_1029, %dma_start3A_1049] : memref<8x128xi32, #tpu.memory_space<vmem>> -> memref<1x128xi32, #tpu.memory_space<vmem>>
      %dma_start3A_1051 = tpu.memref_squeeze %dma_start3A_1050 : memref<1x128xi32, #tpu.memory_space<vmem>> -> memref<128xi32, #tpu.memory_space<vmem>>
      %dma_start3A_1052 = arith.constant 0 : i32
      %dma_start3A_1053 = tpu.memref_slice %arg6[%dma_start3A_1052] : memref<65792xf32, #tpu.memory_space<vmem_shared>> -> memref<65792xf32, #tpu.memory_space<vmem_shared>>
      tpu.enqueue_indirect_dma source(%dma_start3A_1048 : memref<128xf32, #tpu.memory_space<vmem>>) target(%dma_start3A_1053 : memref<65792xf32, #tpu.memory_space<vmem_shared>>) offsets(%dma_start3A_1051 : memref<128xi32, #tpu.memory_space<vmem>>) semaphore(%run_scoped3A_1046 : memref<!tpu.dma_semaphore, #tpu.memory_space<semaphore_mem>>) {add = true}
      %dma_wait3A = arith.constant 0 : i32
      %dma_wait3A_1054 = tpu.memref_slice %arg10[%run_scoped3A_1028, %dma_wait3A] : memref<8x128xf32, #tpu.memory_space<vmem>> -> memref<1x128xf32, #tpu.memory_space<vmem>>
      %dma_wait3A_1055 = tpu.memref_squeeze %dma_wait3A_1054 : memref<1x128xf32, #tpu.memory_space<vmem>> -> memref<128xf32, #tpu.memory_space<vmem>>
      %dma_wait3A_1056 = arith.constant 0 : i32
      %dma_wait3A_1057 = tpu.memref_slice %arg9[%run_scoped3A_1029, %dma_wait3A_1056] : memref<8x128xi32, #tpu.memory_space<vmem>> -> memref<1x128xi32, #tpu.memory_space<vmem>>
      %dma_wait3A_1058 = tpu.memref_squeeze %dma_wait3A_1057 : memref<1x128xi32, #tpu.memory_space<vmem>> -> memref<128xi32, #tpu.memory_space<vmem>>
      %dma_wait3A_1059 = arith.constant 0 : i32
      %dma_wait3A_1060 = tpu.memref_slice %arg6[%dma_wait3A_1059] : memref<65792xf32, #tpu.memory_space<vmem_shared>> -> memref<65792xf32, #tpu.memory_space<vmem_shared>>
      tpu.wait_indirect_dma semaphore(%run_scoped3A_1046 : memref<!tpu.dma_semaphore, #tpu.memory_space<semaphore_mem>>) src(%dma_wait3A_1055 : memref<128xf32, #tpu.memory_space<vmem>>) dst(%dma_wait3A_1060 : memref<65792xf32, #tpu.memory_space<vmem_shared>>)
      tpu.yield
    }) : () -> ()
    %run_scoped3A_1030 = arith.constant 3 : i32
    %run_scoped3A_1031 = arith.constant 3 : i32
    "tpu.region"() ({
      %run_scoped3A_1046 = tpu.sem_alloc : memref<!tpu.dma_semaphore, #tpu.memory_space<semaphore_mem>>
      %dma_start3A = arith.constant 0 : i32
      %dma_start3A_1047 = tpu.memref_slice %arg10[%run_scoped3A_1030, %dma_start3A] : memref<8x128xf32, #tpu.memory_space<vmem>> -> memref<1x128xf32, #tpu.memory_space<vmem>>
      %dma_start3A_1048 = tpu.memref_squeeze %dma_start3A_1047 : memref<1x128xf32, #tpu.memory_space<vmem>> -> memref<128xf32, #tpu.memory_space<vmem>>
      %dma_start3A_1049 = arith.constant 0 : i32
      %dma_start3A_1050 = tpu.memref_slice %arg9[%run_scoped3A_1031, %dma_start3A_1049] : memref<8x128xi32, #tpu.memory_space<vmem>> -> memref<1x128xi32, #tpu.memory_space<vmem>>
      %dma_start3A_1051 = tpu.memref_squeeze %dma_start3A_1050 : memref<1x128xi32, #tpu.memory_space<vmem>> -> memref<128xi32, #tpu.memory_space<vmem>>
      %dma_start3A_1052 = arith.constant 0 : i32
      %dma_start3A_1053 = tpu.memref_slice %arg6[%dma_start3A_1052] : memref<65792xf32, #tpu.memory_space<vmem_shared>> -> memref<65792xf32, #tpu.memory_space<vmem_shared>>
      tpu.enqueue_indirect_dma source(%dma_start3A_1048 : memref<128xf32, #tpu.memory_space<vmem>>) target(%dma_start3A_1053 : memref<65792xf32, #tpu.memory_space<vmem_shared>>) offsets(%dma_start3A_1051 : memref<128xi32, #tpu.memory_space<vmem>>) semaphore(%run_scoped3A_1046 : memref<!tpu.dma_semaphore, #tpu.memory_space<semaphore_mem>>) {add = true}
      %dma_wait3A = arith.constant 0 : i32
      %dma_wait3A_1054 = tpu.memref_slice %arg10[%run_scoped3A_1030, %dma_wait3A] : memref<8x128xf32, #tpu.memory_space<vmem>> -> memref<1x128xf32, #tpu.memory_space<vmem>>
      %dma_wait3A_1055 = tpu.memref_squeeze %dma_wait3A_1054 : memref<1x128xf32, #tpu.memory_space<vmem>> -> memref<128xf32, #tpu.memory_space<vmem>>
      %dma_wait3A_1056 = arith.constant 0 : i32
      %dma_wait3A_1057 = tpu.memref_slice %arg9[%run_scoped3A_1031, %dma_wait3A_1056] : memref<8x128xi32, #tpu.memory_space<vmem>> -> memref<1x128xi32, #tpu.memory_space<vmem>>
      %dma_wait3A_1058 = tpu.memref_squeeze %dma_wait3A_1057 : memref<1x128xi32, #tpu.memory_space<vmem>> -> memref<128xi32, #tpu.memory_space<vmem>>
      %dma_wait3A_1059 = arith.constant 0 : i32
      %dma_wait3A_1060 = tpu.memref_slice %arg6[%dma_wait3A_1059] : memref<65792xf32, #tpu.memory_space<vmem_shared>> -> memref<65792xf32, #tpu.memory_space<vmem_shared>>
      tpu.wait_indirect_dma semaphore(%run_scoped3A_1046 : memref<!tpu.dma_semaphore, #tpu.memory_space<semaphore_mem>>) src(%dma_wait3A_1055 : memref<128xf32, #tpu.memory_space<vmem>>) dst(%dma_wait3A_1060 : memref<65792xf32, #tpu.memory_space<vmem_shared>>)
      tpu.yield
    }) : () -> ()
    %run_scoped3A_1032 = arith.constant 4 : i32
    %run_scoped3A_1033 = arith.constant 4 : i32
    "tpu.region"() ({
      %run_scoped3A_1046 = tpu.sem_alloc : memref<!tpu.dma_semaphore, #tpu.memory_space<semaphore_mem>>
      %dma_start3A = arith.constant 0 : i32
      %dma_start3A_1047 = tpu.memref_slice %arg10[%run_scoped3A_1032, %dma_start3A] : memref<8x128xf32, #tpu.memory_space<vmem>> -> memref<1x128xf32, #tpu.memory_space<vmem>>
      %dma_start3A_1048 = tpu.memref_squeeze %dma_start3A_1047 : memref<1x128xf32, #tpu.memory_space<vmem>> -> memref<128xf32, #tpu.memory_space<vmem>>
      %dma_start3A_1049 = arith.constant 0 : i32
      %dma_start3A_1050 = tpu.memref_slice %arg9[%run_scoped3A_1033, %dma_start3A_1049] : memref<8x128xi32, #tpu.memory_space<vmem>> -> memref<1x128xi32, #tpu.memory_space<vmem>>
      %dma_start3A_1051 = tpu.memref_squeeze %dma_start3A_1050 : memref<1x128xi32, #tpu.memory_space<vmem>> -> memref<128xi32, #tpu.memory_space<vmem>>
      %dma_start3A_1052 = arith.constant 0 : i32
      %dma_start3A_1053 = tpu.memref_slice %arg6[%dma_start3A_1052] : memref<65792xf32, #tpu.memory_space<vmem_shared>> -> memref<65792xf32, #tpu.memory_space<vmem_shared>>
      tpu.enqueue_indirect_dma source(%dma_start3A_1048 : memref<128xf32, #tpu.memory_space<vmem>>) target(%dma_start3A_1053 : memref<65792xf32, #tpu.memory_space<vmem_shared>>) offsets(%dma_start3A_1051 : memref<128xi32, #tpu.memory_space<vmem>>) semaphore(%run_scoped3A_1046 : memref<!tpu.dma_semaphore, #tpu.memory_space<semaphore_mem>>) {add = true}
      %dma_wait3A = arith.constant 0 : i32
      %dma_wait3A_1054 = tpu.memref_slice %arg10[%run_scoped3A_1032, %dma_wait3A] : memref<8x128xf32, #tpu.memory_space<vmem>> -> memref<1x128xf32, #tpu.memory_space<vmem>>
      %dma_wait3A_1055 = tpu.memref_squeeze %dma_wait3A_1054 : memref<1x128xf32, #tpu.memory_space<vmem>> -> memref<128xf32, #tpu.memory_space<vmem>>
      %dma_wait3A_1056 = arith.constant 0 : i32
      %dma_wait3A_1057 = tpu.memref_slice %arg9[%run_scoped3A_1033, %dma_wait3A_1056] : memref<8x128xi32, #tpu.memory_space<vmem>> -> memref<1x128xi32, #tpu.memory_space<vmem>>
      %dma_wait3A_1058 = tpu.memref_squeeze %dma_wait3A_1057 : memref<1x128xi32, #tpu.memory_space<vmem>> -> memref<128xi32, #tpu.memory_space<vmem>>
      %dma_wait3A_1059 = arith.constant 0 : i32
      %dma_wait3A_1060 = tpu.memref_slice %arg6[%dma_wait3A_1059] : memref<65792xf32, #tpu.memory_space<vmem_shared>> -> memref<65792xf32, #tpu.memory_space<vmem_shared>>
      tpu.wait_indirect_dma semaphore(%run_scoped3A_1046 : memref<!tpu.dma_semaphore, #tpu.memory_space<semaphore_mem>>) src(%dma_wait3A_1055 : memref<128xf32, #tpu.memory_space<vmem>>) dst(%dma_wait3A_1060 : memref<65792xf32, #tpu.memory_space<vmem_shared>>)
      tpu.yield
    }) : () -> ()
    %run_scoped3A_1034 = arith.constant 5 : i32
    %run_scoped3A_1035 = arith.constant 5 : i32
    "tpu.region"() ({
      %run_scoped3A_1046 = tpu.sem_alloc : memref<!tpu.dma_semaphore, #tpu.memory_space<semaphore_mem>>
      %dma_start3A = arith.constant 0 : i32
      %dma_start3A_1047 = tpu.memref_slice %arg10[%run_scoped3A_1034, %dma_start3A] : memref<8x128xf32, #tpu.memory_space<vmem>> -> memref<1x128xf32, #tpu.memory_space<vmem>>
      %dma_start3A_1048 = tpu.memref_squeeze %dma_start3A_1047 : memref<1x128xf32, #tpu.memory_space<vmem>> -> memref<128xf32, #tpu.memory_space<vmem>>
      %dma_start3A_1049 = arith.constant 0 : i32
      %dma_start3A_1050 = tpu.memref_slice %arg9[%run_scoped3A_1035, %dma_start3A_1049] : memref<8x128xi32, #tpu.memory_space<vmem>> -> memref<1x128xi32, #tpu.memory_space<vmem>>
      %dma_start3A_1051 = tpu.memref_squeeze %dma_start3A_1050 : memref<1x128xi32, #tpu.memory_space<vmem>> -> memref<128xi32, #tpu.memory_space<vmem>>
      %dma_start3A_1052 = arith.constant 0 : i32
      %dma_start3A_1053 = tpu.memref_slice %arg6[%dma_start3A_1052] : memref<65792xf32, #tpu.memory_space<vmem_shared>> -> memref<65792xf32, #tpu.memory_space<vmem_shared>>
      tpu.enqueue_indirect_dma source(%dma_start3A_1048 : memref<128xf32, #tpu.memory_space<vmem>>) target(%dma_start3A_1053 : memref<65792xf32, #tpu.memory_space<vmem_shared>>) offsets(%dma_start3A_1051 : memref<128xi32, #tpu.memory_space<vmem>>) semaphore(%run_scoped3A_1046 : memref<!tpu.dma_semaphore, #tpu.memory_space<semaphore_mem>>) {add = true}
      %dma_wait3A = arith.constant 0 : i32
      %dma_wait3A_1054 = tpu.memref_slice %arg10[%run_scoped3A_1034, %dma_wait3A] : memref<8x128xf32, #tpu.memory_space<vmem>> -> memref<1x128xf32, #tpu.memory_space<vmem>>
      %dma_wait3A_1055 = tpu.memref_squeeze %dma_wait3A_1054 : memref<1x128xf32, #tpu.memory_space<vmem>> -> memref<128xf32, #tpu.memory_space<vmem>>
      %dma_wait3A_1056 = arith.constant 0 : i32
      %dma_wait3A_1057 = tpu.memref_slice %arg9[%run_scoped3A_1035, %dma_wait3A_1056] : memref<8x128xi32, #tpu.memory_space<vmem>> -> memref<1x128xi32, #tpu.memory_space<vmem>>
      %dma_wait3A_1058 = tpu.memref_squeeze %dma_wait3A_1057 : memref<1x128xi32, #tpu.memory_space<vmem>> -> memref<128xi32, #tpu.memory_space<vmem>>
      %dma_wait3A_1059 = arith.constant 0 : i32
      %dma_wait3A_1060 = tpu.memref_slice %arg6[%dma_wait3A_1059] : memref<65792xf32, #tpu.memory_space<vmem_shared>> -> memref<65792xf32, #tpu.memory_space<vmem_shared>>
      tpu.wait_indirect_dma semaphore(%run_scoped3A_1046 : memref<!tpu.dma_semaphore, #tpu.memory_space<semaphore_mem>>) src(%dma_wait3A_1055 : memref<128xf32, #tpu.memory_space<vmem>>) dst(%dma_wait3A_1060 : memref<65792xf32, #tpu.memory_space<vmem_shared>>)
      tpu.yield
    }) : () -> ()
    %run_scoped3A_1036 = arith.constant 6 : i32
    %run_scoped3A_1037 = arith.constant 6 : i32
    "tpu.region"() ({
      %run_scoped3A_1046 = tpu.sem_alloc : memref<!tpu.dma_semaphore, #tpu.memory_space<semaphore_mem>>
      %dma_start3A = arith.constant 0 : i32
      %dma_start3A_1047 = tpu.memref_slice %arg10[%run_scoped3A_1036, %dma_start3A] : memref<8x128xf32, #tpu.memory_space<vmem>> -> memref<1x128xf32, #tpu.memory_space<vmem>>
      %dma_start3A_1048 = tpu.memref_squeeze %dma_start3A_1047 : memref<1x128xf32, #tpu.memory_space<vmem>> -> memref<128xf32, #tpu.memory_space<vmem>>
      %dma_start3A_1049 = arith.constant 0 : i32
      %dma_start3A_1050 = tpu.memref_slice %arg9[%run_scoped3A_1037, %dma_start3A_1049] : memref<8x128xi32, #tpu.memory_space<vmem>> -> memref<1x128xi32, #tpu.memory_space<vmem>>
      %dma_start3A_1051 = tpu.memref_squeeze %dma_start3A_1050 : memref<1x128xi32, #tpu.memory_space<vmem>> -> memref<128xi32, #tpu.memory_space<vmem>>
      %dma_start3A_1052 = arith.constant 0 : i32
      %dma_start3A_1053 = tpu.memref_slice %arg6[%dma_start3A_1052] : memref<65792xf32, #tpu.memory_space<vmem_shared>> -> memref<65792xf32, #tpu.memory_space<vmem_shared>>
      tpu.enqueue_indirect_dma source(%dma_start3A_1048 : memref<128xf32, #tpu.memory_space<vmem>>) target(%dma_start3A_1053 : memref<65792xf32, #tpu.memory_space<vmem_shared>>) offsets(%dma_start3A_1051 : memref<128xi32, #tpu.memory_space<vmem>>) semaphore(%run_scoped3A_1046 : memref<!tpu.dma_semaphore, #tpu.memory_space<semaphore_mem>>) {add = true}
      %dma_wait3A = arith.constant 0 : i32
      %dma_wait3A_1054 = tpu.memref_slice %arg10[%run_scoped3A_1036, %dma_wait3A] : memref<8x128xf32, #tpu.memory_space<vmem>> -> memref<1x128xf32, #tpu.memory_space<vmem>>
      %dma_wait3A_1055 = tpu.memref_squeeze %dma_wait3A_1054 : memref<1x128xf32, #tpu.memory_space<vmem>> -> memref<128xf32, #tpu.memory_space<vmem>>
      %dma_wait3A_1056 = arith.constant 0 : i32
      %dma_wait3A_1057 = tpu.memref_slice %arg9[%run_scoped3A_1037, %dma_wait3A_1056] : memref<8x128xi32, #tpu.memory_space<vmem>> -> memref<1x128xi32, #tpu.memory_space<vmem>>
      %dma_wait3A_1058 = tpu.memref_squeeze %dma_wait3A_1057 : memref<1x128xi32, #tpu.memory_space<vmem>> -> memref<128xi32, #tpu.memory_space<vmem>>
      %dma_wait3A_1059 = arith.constant 0 : i32
      %dma_wait3A_1060 = tpu.memref_slice %arg6[%dma_wait3A_1059] : memref<65792xf32, #tpu.memory_space<vmem_shared>> -> memref<65792xf32, #tpu.memory_space<vmem_shared>>
      tpu.wait_indirect_dma semaphore(%run_scoped3A_1046 : memref<!tpu.dma_semaphore, #tpu.memory_space<semaphore_mem>>) src(%dma_wait3A_1055 : memref<128xf32, #tpu.memory_space<vmem>>) dst(%dma_wait3A_1060 : memref<65792xf32, #tpu.memory_space<vmem_shared>>)
      tpu.yield
    }) : () -> ()
    %run_scoped3A_1038 = arith.constant 7 : i32
    %run_scoped3A_1039 = arith.constant 7 : i32
    "tpu.region"() ({
      %run_scoped3A_1046 = tpu.sem_alloc : memref<!tpu.dma_semaphore, #tpu.memory_space<semaphore_mem>>
      %dma_start3A = arith.constant 0 : i32
      %dma_start3A_1047 = tpu.memref_slice %arg10[%run_scoped3A_1038, %dma_start3A] : memref<8x128xf32, #tpu.memory_space<vmem>> -> memref<1x128xf32, #tpu.memory_space<vmem>>
      %dma_start3A_1048 = tpu.memref_squeeze %dma_start3A_1047 : memref<1x128xf32, #tpu.memory_space<vmem>> -> memref<128xf32, #tpu.memory_space<vmem>>
      %dma_start3A_1049 = arith.constant 0 : i32
      %dma_start3A_1050 = tpu.memref_slice %arg9[%run_scoped3A_1039, %dma_start3A_1049] : memref<8x128xi32, #tpu.memory_space<vmem>> -> memref<1x128xi32, #tpu.memory_space<vmem>>
      %dma_start3A_1051 = tpu.memref_squeeze %dma_start3A_1050 : memref<1x128xi32, #tpu.memory_space<vmem>> -> memref<128xi32, #tpu.memory_space<vmem>>
      %dma_start3A_1052 = arith.constant 0 : i32
      %dma_start3A_1053 = tpu.memref_slice %arg6[%dma_start3A_1052] : memref<65792xf32, #tpu.memory_space<vmem_shared>> -> memref<65792xf32, #tpu.memory_space<vmem_shared>>
      tpu.enqueue_indirect_dma source(%dma_start3A_1048 : memref<128xf32, #tpu.memory_space<vmem>>) target(%dma_start3A_1053 : memref<65792xf32, #tpu.memory_space<vmem_shared>>) offsets(%dma_start3A_1051 : memref<128xi32, #tpu.memory_space<vmem>>) semaphore(%run_scoped3A_1046 : memref<!tpu.dma_semaphore, #tpu.memory_space<semaphore_mem>>) {add = true}
      %dma_wait3A = arith.constant 0 : i32
      %dma_wait3A_1054 = tpu.memref_slice %arg10[%run_scoped3A_1038, %dma_wait3A] : memref<8x128xf32, #tpu.memory_space<vmem>> -> memref<1x128xf32, #tpu.memory_space<vmem>>
      %dma_wait3A_1055 = tpu.memref_squeeze %dma_wait3A_1054 : memref<1x128xf32, #tpu.memory_space<vmem>> -> memref<128xf32, #tpu.memory_space<vmem>>
      %dma_wait3A_1056 = arith.constant 0 : i32
      %dma_wait3A_1057 = tpu.memref_slice %arg9[%run_scoped3A_1039, %dma_wait3A_1056] : memref<8x128xi32, #tpu.memory_space<vmem>> -> memref<1x128xi32, #tpu.memory_space<vmem>>
      %dma_wait3A_1058 = tpu.memref_squeeze %dma_wait3A_1057 : memref<1x128xi32, #tpu.memory_space<vmem>> -> memref<128xi32, #tpu.memory_space<vmem>>
      %dma_wait3A_1059 = arith.constant 0 : i32
      %dma_wait3A_1060 = tpu.memref_slice %arg6[%dma_wait3A_1059] : memref<65792xf32, #tpu.memory_space<vmem_shared>> -> memref<65792xf32, #tpu.memory_space<vmem_shared>>
      tpu.wait_indirect_dma semaphore(%run_scoped3A_1046 : memref<!tpu.dma_semaphore, #tpu.memory_space<semaphore_mem>>) src(%dma_wait3A_1055 : memref<128xf32, #tpu.memory_space<vmem>>) dst(%dma_wait3A_1060 : memref<65792xf32, #tpu.memory_space<vmem_shared>>)
      tpu.yield
    }) : () -> ()
    %barrier3A_1040 = arith.constant 0 : index
    tpu.barrier barrier_id(%barrier3A_1040)
    %eq3A_1041 = arith.constant 0 : i32
    %eq3A_1042 = arith.cmpi eq, %arg1, %eq3A_1041 : i32
    %convert_element_type3A_1043 = arith.extui %eq3A_1042 : i1 to i32
    %cond3A_1044 = arith.constant 0 : i32
    %cond3A_1045 = arith.cmpi ne, %convert_element_type3A_1043, %cond3A_1044 : i32
    scf.if %cond3A_1045 {
      "tpu.region"() ({
        %run_scoped3A_1046 = tpu.sem_alloc : memref<!tpu.dma_semaphore, #tpu.memory_space<semaphore_mem>>
        %dma_start3A = arith.constant 0 : i32
        %dma_start3A_1047 = tpu.memref_slice %arg5[%arg0, %dma_start3A] : memref<1x65536xf32, #tpu.memory_space<hbm>> -> memref<1x65536xf32, #tpu.memory_space<hbm>>
        %dma_start3A_1048 = tpu.memref_squeeze %dma_start3A_1047 : memref<1x65536xf32, #tpu.memory_space<hbm>> -> memref<65536xf32, #tpu.memory_space<hbm>>
        %dma_start3A_1049 = arith.constant 0 : i32
        %dma_start3A_1050 = tpu.memref_slice %arg6[%dma_start3A_1049] : memref<65792xf32, #tpu.memory_space<vmem_shared>> -> memref<65536xf32, #tpu.memory_space<vmem_shared>>
        tpu.enqueue_dma source(%dma_start3A_1050 : memref<65536xf32, #tpu.memory_space<vmem_shared>>) target(%dma_start3A_1048 : memref<65536xf32, #tpu.memory_space<hbm>>) target_semaphore(%run_scoped3A_1046 : memref<!tpu.dma_semaphore, #tpu.memory_space<semaphore_mem>>)
        %dma_wait3A = arith.constant 0 : i32
        %dma_wait3A_1051 = tpu.memref_slice %arg5[%arg0, %dma_wait3A] : memref<1x65536xf32, #tpu.memory_space<hbm>> -> memref<1x65536xf32, #tpu.memory_space<hbm>>
        %dma_wait3A_1052 = tpu.memref_squeeze %dma_wait3A_1051 : memref<1x65536xf32, #tpu.memory_space<hbm>> -> memref<65536xf32, #tpu.memory_space<hbm>>
        %dma_wait3A_1053 = arith.constant 0 : i32
        %dma_wait3A_1054 = tpu.memref_slice %arg6[%dma_wait3A_1053] : memref<65792xf32, #tpu.memory_space<vmem_shared>> -> memref<65536xf32, #tpu.memory_space<vmem_shared>>
        tpu.wait_dma2 semaphore(%run_scoped3A_1046 : memref<!tpu.dma_semaphore, #tpu.memory_space<semaphore_mem>>) src(%dma_wait3A_1054 : memref<65536xf32, #tpu.memory_space<vmem_shared>>) dst(%dma_wait3A_1052 : memref<65536xf32, #tpu.memory_space<hbm>>)
        tpu.yield
      }) : () -> ()
    } else {
    }
    return
  }
}

module attributes {stable_mosaic.version = 14 : i64} {
  func.func @_tc_body(%arg0: i32, %arg1: memref<4080x3xi32, #tpu.memory_space<vmem>>, %arg2: memref<4x256x128xf32, #tpu.memory_space<vmem>>, %arg3: memref<128x512xf32, #tpu.memory_space<vmem>>, %arg4: memref<1x1xf32, #tpu.memory_space<vmem>>, %arg5: memref<1x65536xf32, #tpu.memory_space<vmem>>, %arg6: memref<1x1xf32, #tpu.memory_space<vmem>>, %arg7: memref<256x2048xbf16, #tpu.memory_space<vmem>>, %arg8: memref<4x256x256xf32, #tpu.memory_space<vmem>>, %arg9: memref<2xf32, #tpu.memory_space<smem>>) attributes {dimension_semantics = [#tpu.dimension_semantics<arbitrary>], iteration_bounds = array<i64: 4>, scalar_prefetch = 0 : i64, scratch_operands = 3 : i64, tpu.core_type = #tpu.core_type<tc>, window_params = [{transform_indices = @transform_0, window_bounds = array<i64: 4080, 3>}, {pipeline_mode = #tpu.pipeline_mode<synchronous>, transform_indices = @transform_1, window_bounds = array<i64: 4, 256, 128>}, {pipeline_mode = #tpu.pipeline_mode<synchronous>, transform_indices = @transform_2, window_bounds = array<i64: 128, 512>}, {pipeline_mode = #tpu.pipeline_mode<synchronous>, transform_indices = @transform_3, window_bounds = array<i64: 1, 1>}, {pipeline_mode = #tpu.pipeline_mode<synchronous>, transform_indices = @transform_4, window_bounds = array<i64: 1, 65536>}, {pipeline_mode = #tpu.pipeline_mode<synchronous>, transform_indices = @transform_5, window_bounds = array<i64: 1, 1>}]} {
    %get3A = arith.constant 0 : index
    %get3A_0 = arith.constant 0 : index
    %get3A_1 = vector.load %arg4[%get3A, %get3A_0] : memref<1x1xf32, #tpu.memory_space<vmem>>, vector<1x1xf32>
    %get3A_2 = vector.extract %get3A_1[0, 0] : f32 from vector<1x1xf32>
    %eq3A = arith.constant 0 : i32
    %eq3A_3 = arith.cmpi eq, %arg0, %eq3A : i32
    %convert_element_type3A = arith.extui %eq3A_3 : i1 to i32
    %cond3A = arith.constant 0 : i32
    %cond3A_4 = arith.cmpi ne, %convert_element_type3A, %cond3A : i32
    scf.if %cond3A_4 {
      %get3A_75 = arith.constant 0 : index
      %get3A_76 = arith.constant 0 : index
      %get3A_77 = arith.constant 0 : index
      %get3A_78 = vector.load %arg2[%get3A_75, %get3A_76, %get3A_77] : memref<4x256x128xf32, #tpu.memory_space<vmem>>, vector<1x256x128xf32>
      %get3A_79 = vector.shape_cast %get3A_78 : vector<1x256x128xf32> to vector<256x128xf32>
      %get3A_80 = arith.constant 0 : index
      %get3A_81 = arith.constant 0 : index
      %get3A_82 = vector.load %arg3[%get3A_80, %get3A_81] : memref<128x512xf32, #tpu.memory_space<vmem>>, vector<128x512xf32>
      %dot_general3A_83 = arith.constant dense<0.000000e+00> : vector<256x512xf32>
      %dot_general3A_84 = tpu.matmul %get3A_79, %get3A_82, %dot_general3A_83 {dimension_numbers = #tpu.dot_dimension_numbers<[1], [0], [0], [1], [0, 0, 1, 1], [], []>, transpose_lhs_hint = false} : vector<256x128xf32>, vector<128x512xf32>, vector<256x512xf32> -> vector<256x512xf32>
      %mul3A_85 = arith.constant 1.44269502 : f32
      %mul3A_86 = arith.mulf %get3A_2, %mul3A_85 : f32
      %mul3A_87 = vector.broadcast %mul3A_86 : f32 to vector<256x512xf32>
      %mul3A_88 = arith.mulf %mul3A_87, %dot_general3A_84 : vector<256x512xf32>
      %convert_element_type3A_89 = arith.truncf %mul3A_88 : vector<256x512xf32> to vector<256x512xbf16>
      %swap3A_90 = arith.constant 0 : index
      %swap3A_91 = arith.constant 0 : index
      %swap3A_92 = vector.load %arg7[%swap3A_90, %swap3A_91] : memref<256x2048xbf16, #tpu.memory_space<vmem>>, vector<256x512xbf16>
      tpu.vector_store %arg7[%swap3A_90, %swap3A_91], %convert_element_type3A_89 {strides = array<i32>} : memref<256x2048xbf16, #tpu.memory_space<vmem>>, vector<256x512xbf16>,
      %mul3A_93 = vector.broadcast %get3A_2 : f32 to vector<256x512xf32>
      %mul3A_94 = arith.mulf %mul3A_93, %dot_general3A_84 : vector<256x512xf32>
      %exp3A = math.exp %mul3A_94 : vector<256x512xf32>
      %convert_element_type3A_95 = arith.truncf %exp3A : vector<256x512xf32> to vector<256x512xbf16>
      %dot_general3A_96 = arith.constant dense<0.000000e+00> : vector<256x256xf32>
      %dot_general3A_97 = tpu.matmul %convert_element_type3A_95, %convert_element_type3A_95, %dot_general3A_96 {dimension_numbers = #tpu.dot_dimension_numbers<[1], [1], [0], [0], [0, 0, 1, 0], [], []>, transpose_lhs_hint = false} : vector<256x512xbf16>, vector<256x512xbf16>, vector<256x256xf32> -> vector<256x256xf32>
      %log3A_98 = math.log %dot_general3A_97 : vector<256x256xf32>
      %swap3A_99 = arith.constant 0 : index
      %swap3A_100 = arith.constant 0 : index
      %swap3A_101 = arith.constant 0 : index
      %swap3A_102 = vector.load %arg8[%swap3A_99, %swap3A_100, %swap3A_101] : memref<4x256x256xf32, #tpu.memory_space<vmem>>, vector<1x256x256xf32>
      %swap3A_103 = vector.shape_cast %swap3A_102 : vector<1x256x256xf32> to vector<256x256xf32>
      %swap3A_104 = vector.shape_cast %log3A_98 : vector<256x256xf32> to vector<1x256x256xf32>
      tpu.vector_store %arg8[%swap3A_99, %swap3A_100, %swap3A_101], %swap3A_104 {strides = array<i32>} : memref<4x256x256xf32, #tpu.memory_space<vmem>>, vector<1x256x256xf32>,
      %get3A_105 = arith.constant 1 : index
      %get3A_106 = arith.constant 0 : index
      %get3A_107 = arith.constant 0 : index
      %get3A_108 = vector.load %arg2[%get3A_105, %get3A_106, %get3A_107] : memref<4x256x128xf32, #tpu.memory_space<vmem>>, vector<1x256x128xf32>
      %get3A_109 = vector.shape_cast %get3A_108 : vector<1x256x128xf32> to vector<256x128xf32>
      %get3A_110 = arith.constant 0 : index
      %get3A_111 = arith.constant 0 : index
      %get3A_112 = vector.load %arg3[%get3A_110, %get3A_111] : memref<128x512xf32, #tpu.memory_space<vmem>>, vector<128x512xf32>
      %dot_general3A_113 = arith.constant dense<0.000000e+00> : vector<256x512xf32>
      %dot_general3A_114 = tpu.matmul %get3A_109, %get3A_112, %dot_general3A_113 {dimension_numbers = #tpu.dot_dimension_numbers<[1], [0], [0], [1], [0, 0, 1, 1], [], []>, transpose_lhs_hint = false} : vector<256x128xf32>, vector<128x512xf32>, vector<256x512xf32> -> vector<256x512xf32>
      %mul3A_115 = arith.constant 1.44269502 : f32
      %mul3A_116 = arith.mulf %get3A_2, %mul3A_115 : f32
      %mul3A_117 = vector.broadcast %mul3A_116 : f32 to vector<256x512xf32>
      %mul3A_118 = arith.mulf %mul3A_117, %dot_general3A_114 : vector<256x512xf32>
      %convert_element_type3A_119 = arith.truncf %mul3A_118 : vector<256x512xf32> to vector<256x512xbf16>
      %swap3A_120 = arith.constant 0 : index
      %swap3A_121 = arith.constant 512 : index
      %swap3A_122 = vector.load %arg7[%swap3A_120, %swap3A_121] : memref<256x2048xbf16, #tpu.memory_space<vmem>>, vector<256x512xbf16>
      tpu.vector_store %arg7[%swap3A_120, %swap3A_121], %convert_element_type3A_119 {strides = array<i32>} : memref<256x2048xbf16, #tpu.memory_space<vmem>>, vector<256x512xbf16>,
      %mul3A_123 = vector.broadcast %get3A_2 : f32 to vector<256x512xf32>
      %mul3A_124 = arith.mulf %mul3A_123, %dot_general3A_114 : vector<256x512xf32>
      %exp3A_125 = math.exp %mul3A_124 : vector<256x512xf32>
      %convert_element_type3A_126 = arith.truncf %exp3A_125 : vector<256x512xf32> to vector<256x512xbf16>
      %dot_general3A_127 = arith.constant dense<0.000000e+00> : vector<256x256xf32>
      %dot_general3A_128 = tpu.matmul %convert_element_type3A_126, %convert_element_type3A_126, %dot_general3A_127 {dimension_numbers = #tpu.dot_dimension_numbers<[1], [1], [0], [0], [0, 0, 1, 0], [], []>, transpose_lhs_hint = false} : vector<256x512xbf16>, vector<256x512xbf16>, vector<256x256xf32> -> vector<256x256xf32>
      %log3A_129 = math.log %dot_general3A_128 : vector<256x256xf32>
      %swap3A_130 = arith.constant 1 : index
      %swap3A_131 = arith.constant 0 : index
      %swap3A_132 = arith.constant 0 : index
      %swap3A_133 = vector.load %arg8[%swap3A_130, %swap3A_131, %swap3A_132] : memref<4x256x256xf32, #tpu.memory_space<vmem>>, vector<1x256x256xf32>
      %swap3A_134 = vector.shape_cast %swap3A_133 : vector<1x256x256xf32> to vector<256x256xf32>
      %swap3A_135 = vector.shape_cast %log3A_129 : vector<256x256xf32> to vector<1x256x256xf32>
      tpu.vector_store %arg8[%swap3A_130, %swap3A_131, %swap3A_132], %swap3A_135 {strides = array<i32>} : memref<4x256x256xf32, #tpu.memory_space<vmem>>, vector<1x256x256xf32>,
      %get3A_136 = arith.constant 2 : index
      %get3A_137 = arith.constant 0 : index
      %get3A_138 = arith.constant 0 : index
      %get3A_139 = vector.load %arg2[%get3A_136, %get3A_137, %get3A_138] : memref<4x256x128xf32, #tpu.memory_space<vmem>>, vector<1x256x128xf32>
      %get3A_140 = vector.shape_cast %get3A_139 : vector<1x256x128xf32> to vector<256x128xf32>
      %get3A_141 = arith.constant 0 : index
      %get3A_142 = arith.constant 0 : index
      %get3A_143 = vector.load %arg3[%get3A_141, %get3A_142] : memref<128x512xf32, #tpu.memory_space<vmem>>, vector<128x512xf32>
      %dot_general3A_144 = arith.constant dense<0.000000e+00> : vector<256x512xf32>
      %dot_general3A_145 = tpu.matmul %get3A_140, %get3A_143, %dot_general3A_144 {dimension_numbers = #tpu.dot_dimension_numbers<[1], [0], [0], [1], [0, 0, 1, 1], [], []>, transpose_lhs_hint = false} : vector<256x128xf32>, vector<128x512xf32>, vector<256x512xf32> -> vector<256x512xf32>
      %mul3A_146 = arith.constant 1.44269502 : f32
      %mul3A_147 = arith.mulf %get3A_2, %mul3A_146 : f32
      %mul3A_148 = vector.broadcast %mul3A_147 : f32 to vector<256x512xf32>
      %mul3A_149 = arith.mulf %mul3A_148, %dot_general3A_145 : vector<256x512xf32>
      %convert_element_type3A_150 = arith.truncf %mul3A_149 : vector<256x512xf32> to vector<256x512xbf16>
      %swap3A_151 = arith.constant 0 : index
      %swap3A_152 = arith.constant 1024 : index
      %swap3A_153 = vector.load %arg7[%swap3A_151, %swap3A_152] : memref<256x2048xbf16, #tpu.memory_space<vmem>>, vector<256x512xbf16>
      tpu.vector_store %arg7[%swap3A_151, %swap3A_152], %convert_element_type3A_150 {strides = array<i32>} : memref<256x2048xbf16, #tpu.memory_space<vmem>>, vector<256x512xbf16>,
      %mul3A_154 = vector.broadcast %get3A_2 : f32 to vector<256x512xf32>
      %mul3A_155 = arith.mulf %mul3A_154, %dot_general3A_145 : vector<256x512xf32>
      %exp3A_156 = math.exp %mul3A_155 : vector<256x512xf32>
      %convert_element_type3A_157 = arith.truncf %exp3A_156 : vector<256x512xf32> to vector<256x512xbf16>
      %dot_general3A_158 = arith.constant dense<0.000000e+00> : vector<256x256xf32>
      %dot_general3A_159 = tpu.matmul %convert_element_type3A_157, %convert_element_type3A_157, %dot_general3A_158 {dimension_numbers = #tpu.dot_dimension_numbers<[1], [1], [0], [0], [0, 0, 1, 0], [], []>, transpose_lhs_hint = false} : vector<256x512xbf16>, vector<256x512xbf16>, vector<256x256xf32> -> vector<256x256xf32>
      %log3A_160 = math.log %dot_general3A_159 : vector<256x256xf32>
      %swap3A_161 = arith.constant 2 : index
      %swap3A_162 = arith.constant 0 : index
      %swap3A_163 = arith.constant 0 : index
      %swap3A_164 = vector.load %arg8[%swap3A_161, %swap3A_162, %swap3A_163] : memref<4x256x256xf32, #tpu.memory_space<vmem>>, vector<1x256x256xf32>
      %swap3A_165 = vector.shape_cast %swap3A_164 : vector<1x256x256xf32> to vector<256x256xf32>
      %swap3A_166 = vector.shape_cast %log3A_160 : vector<256x256xf32> to vector<1x256x256xf32>
      tpu.vector_store %arg8[%swap3A_161, %swap3A_162, %swap3A_163], %swap3A_166 {strides = array<i32>} : memref<4x256x256xf32, #tpu.memory_space<vmem>>, vector<1x256x256xf32>,
      %get3A_167 = arith.constant 3 : index
      %get3A_168 = arith.constant 0 : index
      %get3A_169 = arith.constant 0 : index
      %get3A_170 = vector.load %arg2[%get3A_167, %get3A_168, %get3A_169] : memref<4x256x128xf32, #tpu.memory_space<vmem>>, vector<1x256x128xf32>
      %get3A_171 = vector.shape_cast %get3A_170 : vector<1x256x128xf32> to vector<256x128xf32>
      %get3A_172 = arith.constant 0 : index
      %get3A_173 = arith.constant 0 : index
      %get3A_174 = vector.load %arg3[%get3A_172, %get3A_173] : memref<128x512xf32, #tpu.memory_space<vmem>>, vector<128x512xf32>
      %dot_general3A_175 = arith.constant dense<0.000000e+00> : vector<256x512xf32>
      %dot_general3A_176 = tpu.matmul %get3A_171, %get3A_174, %dot_general3A_175 {dimension_numbers = #tpu.dot_dimension_numbers<[1], [0], [0], [1], [0, 0, 1, 1], [], []>, transpose_lhs_hint = false} : vector<256x128xf32>, vector<128x512xf32>, vector<256x512xf32> -> vector<256x512xf32>
      %mul3A_177 = arith.constant 1.44269502 : f32
      %mul3A_178 = arith.mulf %get3A_2, %mul3A_177 : f32
      %mul3A_179 = vector.broadcast %mul3A_178 : f32 to vector<256x512xf32>
      %mul3A_180 = arith.mulf %mul3A_179, %dot_general3A_176 : vector<256x512xf32>
      %convert_element_type3A_181 = arith.truncf %mul3A_180 : vector<256x512xf32> to vector<256x512xbf16>
      %swap3A_182 = arith.constant 0 : index
      %swap3A_183 = arith.constant 1536 : index
      %swap3A_184 = vector.load %arg7[%swap3A_182, %swap3A_183] : memref<256x2048xbf16, #tpu.memory_space<vmem>>, vector<256x512xbf16>
      tpu.vector_store %arg7[%swap3A_182, %swap3A_183], %convert_element_type3A_181 {strides = array<i32>} : memref<256x2048xbf16, #tpu.memory_space<vmem>>, vector<256x512xbf16>,
      %mul3A_185 = vector.broadcast %get3A_2 : f32 to vector<256x512xf32>
      %mul3A_186 = arith.mulf %mul3A_185, %dot_general3A_176 : vector<256x512xf32>
      %exp3A_187 = math.exp %mul3A_186 : vector<256x512xf32>
      %convert_element_type3A_188 = arith.truncf %exp3A_187 : vector<256x512xf32> to vector<256x512xbf16>
      %dot_general3A_189 = arith.constant dense<0.000000e+00> : vector<256x256xf32>
      %dot_general3A_190 = tpu.matmul %convert_element_type3A_188, %convert_element_type3A_188, %dot_general3A_189 {dimension_numbers = #tpu.dot_dimension_numbers<[1], [1], [0], [0], [0, 0, 1, 0], [], []>, transpose_lhs_hint = false} : vector<256x512xbf16>, vector<256x512xbf16>, vector<256x256xf32> -> vector<256x256xf32>
      %log3A_191 = math.log %dot_general3A_190 : vector<256x256xf32>
      %swap3A_192 = arith.constant 3 : index
      %swap3A_193 = arith.constant 0 : index
      %swap3A_194 = arith.constant 0 : index
      %swap3A_195 = vector.load %arg8[%swap3A_192, %swap3A_193, %swap3A_194] : memref<4x256x256xf32, #tpu.memory_space<vmem>>, vector<1x256x256xf32>
      %swap3A_196 = vector.shape_cast %swap3A_195 : vector<1x256x256xf32> to vector<256x256xf32>
      %swap3A_197 = vector.shape_cast %log3A_191 : vector<256x256xf32> to vector<1x256x256xf32>
      tpu.vector_store %arg8[%swap3A_192, %swap3A_193, %swap3A_194], %swap3A_197 {strides = array<i32>} : memref<4x256x256xf32, #tpu.memory_space<vmem>>, vector<1x256x256xf32>,
      %swap3A_198 = arith.constant 0.000000e+00 : f32
      %swap3A_199 = arith.constant 0 : index
      %swap3A_200 = memref.load %arg9[%swap3A_199] : memref<2xf32, #tpu.memory_space<smem>>
      memref.store %swap3A_198, %arg9[%swap3A_199] : memref<2xf32, #tpu.memory_space<smem>>
      %get3A_201 = arith.constant 0 : index
      %get3A_202 = arith.constant 0 : index
      %get3A_203 = arith.constant 0 : index
      %get3A_204 = vector.load %arg2[%get3A_201, %get3A_202, %get3A_203] : memref<4x256x128xf32, #tpu.memory_space<vmem>>, vector<4x256x128xf32>
      %integer_pow3A = arith.mulf %get3A_204, %get3A_204 : vector<4x256x128xf32>
      %reduce_sum3A_205 = vector.shape_cast %integer_pow3A : vector<4x256x128xf32> to vector<1x4x256x128xf32>
      %reduce_sum3A_206 = arith.constant dense<0.000000e+00> : vector<1xf32>
      %reduce_sum3A_207 = vector.multi_reduction <add>, %reduce_sum3A_205, %reduce_sum3A_206 [1, 2, 3] : vector<1x4x256x128xf32> to vector<1xf32>
      %reduce_sum3A_208 = vector.shape_cast %reduce_sum3A_207 : vector<1xf32> to vector<1x1x1x1xf32>
      %reduce_sum3A_209 = vector.extract %reduce_sum3A_208[0, 0, 0, 0] : f32 from vector<1x1x1x1xf32>
      %swap3A_210 = arith.constant 1 : index
      %swap3A_211 = memref.load %arg9[%swap3A_210] : memref<2xf32, #tpu.memory_space<smem>>
      memref.store %reduce_sum3A_209, %arg9[%swap3A_210] : memref<2xf32, #tpu.memory_space<smem>>
    } else {
    }
    %get3A_5 = arith.constant 0 : index
    %get3A_6 = arith.constant 0 : index
    %get3A_7 = vector.load %arg1[%get3A_5, %get3A_6] : memref<4080x3xi32, #tpu.memory_space<vmem>>, vector<4080x3xi32>
    %slice3A = vector.extract_strided_slice %get3A_7 {offsets = [0, 0], sizes = [4080, 1], strides = [1, 1]} : vector<4080x3xi32> to vector<4080x1xi32>
    %iota3A = tpu.iota {dimensions = array<i32: 1>} : vector<4080x256xi16>
    %convert_element_type3A_8 = arith.trunci %slice3A : vector<4080x1xi32> to vector<4080x1xi16>
    %eq3A_9 = vector.broadcast %convert_element_type3A_8 : vector<4080x1xi16> to vector<4080x256xi16>
    %eq3A_10 = arith.cmpi eq, %eq3A_9, %iota3A : vector<4080x256xi16>
    %jit3A = arith.constant 1.000000e+00 : bf16
    %jit3A_11 = arith.constant 0.000000e+00 : bf16
    %broadcast_in_dim3A = vector.broadcast %jit3A : bf16 to vector<4080x256xbf16>
    %broadcast_in_dim3A_12 = vector.broadcast %jit3A_11 : bf16 to vector<4080x256xbf16>
    %select_n3A = arith.select %eq3A_10, %broadcast_in_dim3A, %broadcast_in_dim3A_12 : vector<4080x256xi1>, vector<4080x256xbf16>
    %slice3A_13 = vector.extract_strided_slice %get3A_7 {offsets = [0, 1], sizes = [4080, 1], strides = [1, 1]} : vector<4080x3xi32> to vector<4080x1xi32>
    %iota3A_14 = tpu.iota {dimensions = array<i32: 1>} : vector<4080x256xi16>
    %convert_element_type3A_15 = arith.trunci %slice3A_13 : vector<4080x1xi32> to vector<4080x1xi16>
    %eq3A_16 = vector.broadcast %convert_element_type3A_15 : vector<4080x1xi16> to vector<4080x256xi16>
    %eq3A_17 = arith.cmpi eq, %eq3A_16, %iota3A_14 : vector<4080x256xi16>
    %jit3A_18 = arith.constant 1.000000e+00 : bf16
    %jit3A_19 = arith.constant 0.000000e+00 : bf16
    %broadcast_in_dim3A_20 = vector.broadcast %jit3A_18 : bf16 to vector<4080x256xbf16>
    %broadcast_in_dim3A_21 = vector.broadcast %jit3A_19 : bf16 to vector<4080x256xbf16>
    %select_n3A_22 = arith.select %eq3A_17, %broadcast_in_dim3A_20, %broadcast_in_dim3A_21 : vector<4080x256xi1>, vector<4080x256xbf16>
    %add3A = arith.addf %select_n3A, %select_n3A_22 : vector<4080x256xbf16>
    %slice3A_23 = vector.extract_strided_slice %get3A_7 {offsets = [0, 2], sizes = [4080, 1], strides = [1, 1]} : vector<4080x3xi32> to vector<4080x1xi32>
    %iota3A_24 = tpu.iota {dimensions = array<i32: 1>} : vector<4080x256xi16>
    %convert_element_type3A_25 = arith.trunci %slice3A_23 : vector<4080x1xi32> to vector<4080x1xi16>
    %eq3A_26 = vector.broadcast %convert_element_type3A_25 : vector<4080x1xi16> to vector<4080x256xi16>
    %eq3A_27 = arith.cmpi eq, %eq3A_26, %iota3A_24 : vector<4080x256xi16>
    %jit3A_28 = arith.constant 1.000000e+00 : bf16
    %jit3A_29 = arith.constant 0.000000e+00 : bf16
    %broadcast_in_dim3A_30 = vector.broadcast %jit3A_28 : bf16 to vector<4080x256xbf16>
    %broadcast_in_dim3A_31 = vector.broadcast %jit3A_29 : bf16 to vector<4080x256xbf16>
    %select_n3A_32 = arith.select %eq3A_27, %broadcast_in_dim3A_30, %broadcast_in_dim3A_31 : vector<4080x256xi1>, vector<4080x256xbf16>
    %add3A_33 = arith.addf %add3A, %select_n3A_32 : vector<4080x256xbf16>
    %get3A_34 = arith.constant 0 : index
    %get3A_35 = arith.constant 0 : index
    %get3A_36 = vector.load %arg7[%get3A_34, %get3A_35] : memref<256x2048xbf16, #tpu.memory_space<vmem>>, vector<256x2048xbf16>
    %dot_general3A = arith.constant dense<0.000000e+00> : vector<4080x2048xf32>
    %dot_general3A_37 = tpu.matmul %add3A_33, %get3A_36, %dot_general3A {dimension_numbers = #tpu.dot_dimension_numbers<[1], [0], [0], [1], [0, 0, 1, 1], [], []>, transpose_lhs_hint = false} : vector<4080x256xbf16>, vector<256x2048xbf16>, vector<4080x2048xf32> -> vector<4080x2048xf32>
    %slice3A_38 = vector.extract_strided_slice %dot_general3A_37 {offsets = [0, 0], sizes = [4080, 512], strides = [1, 1]} : vector<4080x2048xf32> to vector<4080x512xf32>
    %exp23A = math.exp2 %slice3A_38 : vector<4080x512xf32>
    %reduce_sum3A = arith.constant dense<0.000000e+00> : vector<4080xf32>
    %reduce_sum3A_39 = vector.multi_reduction <add>, %exp23A, %reduce_sum3A [1] : vector<4080x512xf32> to vector<4080xf32>
    %broadcast_in_dim3A_40 = vector.shape_cast %reduce_sum3A_39 : vector<4080xf32> to vector<4080x1xf32>
    %mul3A = arith.constant 1.000000e+00 : f32
    %mul3A_41 = vector.broadcast %mul3A : f32 to vector<4080x1xf32>
    %mul3A_42 = arith.mulf %mul3A_41, %broadcast_in_dim3A_40 : vector<4080x1xf32>
    %slice3A_43 = vector.extract_strided_slice %dot_general3A_37 {offsets = [0, 512], sizes = [4080, 512], strides = [1, 1]} : vector<4080x2048xf32> to vector<4080x512xf32>
    %exp23A_44 = math.exp2 %slice3A_43 : vector<4080x512xf32>
    %reduce_sum3A_45 = arith.constant dense<0.000000e+00> : vector<4080xf32>
    %reduce_sum3A_46 = vector.multi_reduction <add>, %exp23A_44, %reduce_sum3A_45 [1] : vector<4080x512xf32> to vector<4080xf32>
    %broadcast_in_dim3A_47 = vector.shape_cast %reduce_sum3A_46 : vector<4080xf32> to vector<4080x1xf32>
    %mul3A_48 = arith.mulf %mul3A_42, %broadcast_in_dim3A_47 : vector<4080x1xf32>
    %slice3A_49 = vector.extract_strided_slice %dot_general3A_37 {offsets = [0, 1024], sizes = [4080, 512], strides = [1, 1]} : vector<4080x2048xf32> to vector<4080x512xf32>
    %exp23A_50 = math.exp2 %slice3A_49 : vector<4080x512xf32>
    %reduce_sum3A_51 = arith.constant dense<0.000000e+00> : vector<4080xf32>
    %reduce_sum3A_52 = vector.multi_reduction <add>, %exp23A_50, %reduce_sum3A_51 [1] : vector<4080x512xf32> to vector<4080xf32>
    %broadcast_in_dim3A_53 = vector.shape_cast %reduce_sum3A_52 : vector<4080xf32> to vector<4080x1xf32>
    %mul3A_54 = arith.mulf %mul3A_48, %broadcast_in_dim3A_53 : vector<4080x1xf32>
    %slice3A_55 = vector.extract_strided_slice %dot_general3A_37 {offsets = [0, 1536], sizes = [4080, 512], strides = [1, 1]} : vector<4080x2048xf32> to vector<4080x512xf32>
    %exp23A_56 = math.exp2 %slice3A_55 : vector<4080x512xf32>
    %reduce_sum3A_57 = arith.constant dense<0.000000e+00> : vector<4080xf32>
    %reduce_sum3A_58 = vector.multi_reduction <add>, %exp23A_56, %reduce_sum3A_57 [1] : vector<4080x512xf32> to vector<4080xf32>
    %broadcast_in_dim3A_59 = vector.shape_cast %reduce_sum3A_58 : vector<4080xf32> to vector<4080x1xf32>
    %mul3A_60 = arith.mulf %mul3A_54, %broadcast_in_dim3A_59 : vector<4080x1xf32>
    %get3A_61 = arith.constant 0 : index
    %get3A_62 = memref.load %arg9[%get3A_61] : memref<2xf32, #tpu.memory_space<smem>>
    %log3A = math.log %mul3A_60 : vector<4080x1xf32>
    %reduce_sum3A_63 = vector.shape_cast %log3A : vector<4080x1xf32> to vector<1x4080x1xf32>
    %reduce_sum3A_64 = arith.constant dense<0.000000e+00> : vector<1xf32>
    %reduce_sum3A_65 = vector.multi_reduction <add>, %reduce_sum3A_63, %reduce_sum3A_64 [1, 2] : vector<1x4080x1xf32> to vector<1xf32>
    %reduce_sum3A_66 = vector.shape_cast %reduce_sum3A_65 : vector<1xf32> to vector<1x1x1xf32>
    %reduce_sum3A_67 = vector.extract %reduce_sum3A_66[0, 0, 0] : f32 from vector<1x1x1xf32>
    %add3A_68 = arith.addf %get3A_62, %reduce_sum3A_67 : f32
    %swap3A = arith.constant 0 : index
    %swap3A_69 = memref.load %arg9[%swap3A] : memref<2xf32, #tpu.memory_space<smem>>
    memref.store %add3A_68, %arg9[%swap3A] : memref<2xf32, #tpu.memory_space<smem>>
    %eq3A_70 = arith.constant 3 : i32
    %eq3A_71 = arith.cmpi eq, %arg0, %eq3A_70 : i32
    %convert_element_type3A_72 = arith.extui %eq3A_71 : i1 to i32
    %cond3A_73 = arith.constant 0 : i32
    %cond3A_74 = arith.cmpi ne, %convert_element_type3A_72, %cond3A_73 : i32
    scf.if %cond3A_74 {
      %get3A_75 = arith.constant 0 : index
      %get3A_76 = arith.constant 0 : index
      %get3A_77 = vector.load %arg5[%get3A_75, %get3A_76] : memref<1x65536xf32, #tpu.memory_space<vmem>>, vector<1x65536xf32>
      %get3A_78 = vector.shape_cast %get3A_77 : vector<1x65536xf32> to vector<65536xf32>
      %reshape3A = vector.shape_cast %get3A_78 : vector<65536xf32> to vector<256x256xf32>
      %get3A_79 = arith.constant 0 : index
      %get3A_80 = arith.constant 0 : index
      %get3A_81 = arith.constant 0 : index
      %get3A_82 = vector.load %arg8[%get3A_79, %get3A_80, %get3A_81] : memref<4x256x256xf32, #tpu.memory_space<vmem>>, vector<1x256x256xf32>
      %get3A_83 = vector.shape_cast %get3A_82 : vector<1x256x256xf32> to vector<256x256xf32>
      %mul3A_84 = arith.mulf %reshape3A, %get3A_83 : vector<256x256xf32>
      %reduce_sum3A_85 = vector.shape_cast %mul3A_84 : vector<256x256xf32> to vector<1x256x256xf32>
      %reduce_sum3A_86 = arith.constant dense<0.000000e+00> : vector<1xf32>
      %reduce_sum3A_87 = vector.multi_reduction <add>, %reduce_sum3A_85, %reduce_sum3A_86 [1, 2] : vector<1x256x256xf32> to vector<1xf32>
      %reduce_sum3A_88 = vector.shape_cast %reduce_sum3A_87 : vector<1xf32> to vector<1x1x1xf32>
      %reduce_sum3A_89 = vector.extract %reduce_sum3A_88[0, 0, 0] : f32 from vector<1x1x1xf32>
      %add3A_90 = arith.constant 0.000000e+00 : f32
      %add3A_91 = arith.addf %add3A_90, %reduce_sum3A_89 : f32
      %get3A_92 = arith.constant 1 : index
      %get3A_93 = arith.constant 0 : index
      %get3A_94 = arith.constant 0 : index
      %get3A_95 = vector.load %arg8[%get3A_92, %get3A_93, %get3A_94] : memref<4x256x256xf32, #tpu.memory_space<vmem>>, vector<1x256x256xf32>
      %get3A_96 = vector.shape_cast %get3A_95 : vector<1x256x256xf32> to vector<256x256xf32>
      %mul3A_97 = arith.mulf %reshape3A, %get3A_96 : vector<256x256xf32>
      %reduce_sum3A_98 = vector.shape_cast %mul3A_97 : vector<256x256xf32> to vector<1x256x256xf32>
      %reduce_sum3A_99 = arith.constant dense<0.000000e+00> : vector<1xf32>
      %reduce_sum3A_100 = vector.multi_reduction <add>, %reduce_sum3A_98, %reduce_sum3A_99 [1, 2] : vector<1x256x256xf32> to vector<1xf32>
      %reduce_sum3A_101 = vector.shape_cast %reduce_sum3A_100 : vector<1xf32> to vector<1x1x1xf32>
      %reduce_sum3A_102 = vector.extract %reduce_sum3A_101[0, 0, 0] : f32 from vector<1x1x1xf32>
      %add3A_103 = arith.addf %add3A_91, %reduce_sum3A_102 : f32
      %get3A_104 = arith.constant 2 : index
      %get3A_105 = arith.constant 0 : index
      %get3A_106 = arith.constant 0 : index
      %get3A_107 = vector.load %arg8[%get3A_104, %get3A_105, %get3A_106] : memref<4x256x256xf32, #tpu.memory_space<vmem>>, vector<1x256x256xf32>
      %get3A_108 = vector.shape_cast %get3A_107 : vector<1x256x256xf32> to vector<256x256xf32>
      %mul3A_109 = arith.mulf %reshape3A, %get3A_108 : vector<256x256xf32>
      %reduce_sum3A_110 = vector.shape_cast %mul3A_109 : vector<256x256xf32> to vector<1x256x256xf32>
      %reduce_sum3A_111 = arith.constant dense<0.000000e+00> : vector<1xf32>
      %reduce_sum3A_112 = vector.multi_reduction <add>, %reduce_sum3A_110, %reduce_sum3A_111 [1, 2] : vector<1x256x256xf32> to vector<1xf32>
      %reduce_sum3A_113 = vector.shape_cast %reduce_sum3A_112 : vector<1xf32> to vector<1x1x1xf32>
      %reduce_sum3A_114 = vector.extract %reduce_sum3A_113[0, 0, 0] : f32 from vector<1x1x1xf32>
      %add3A_115 = arith.addf %add3A_103, %reduce_sum3A_114 : f32
      %get3A_116 = arith.constant 3 : index
      %get3A_117 = arith.constant 0 : index
      %get3A_118 = arith.constant 0 : index
      %get3A_119 = vector.load %arg8[%get3A_116, %get3A_117, %get3A_118] : memref<4x256x256xf32, #tpu.memory_space<vmem>>, vector<1x256x256xf32>
      %get3A_120 = vector.shape_cast %get3A_119 : vector<1x256x256xf32> to vector<256x256xf32>
      %mul3A_121 = arith.mulf %reshape3A, %get3A_120 : vector<256x256xf32>
      %reduce_sum3A_122 = vector.shape_cast %mul3A_121 : vector<256x256xf32> to vector<1x256x256xf32>
      %reduce_sum3A_123 = arith.constant dense<0.000000e+00> : vector<1xf32>
      %reduce_sum3A_124 = vector.multi_reduction <add>, %reduce_sum3A_122, %reduce_sum3A_123 [1, 2] : vector<1x256x256xf32> to vector<1xf32>
      %reduce_sum3A_125 = vector.shape_cast %reduce_sum3A_124 : vector<1xf32> to vector<1x1x1xf32>
      %reduce_sum3A_126 = vector.extract %reduce_sum3A_125[0, 0, 0] : f32 from vector<1x1x1xf32>
      %add3A_127 = arith.addf %add3A_115, %reduce_sum3A_126 : f32
      %get3A_128 = arith.constant 0 : index
      %get3A_129 = memref.load %arg9[%get3A_128] : memref<2xf32, #tpu.memory_space<smem>>
      %add3A_130 = arith.addf %get3A_129, %add3A_127 : f32
      %mul3A_131 = arith.constant 3.264000e+04 : f32
      %mul3A_132 = arith.mulf %get3A_2, %mul3A_131 : f32
      %div3A = arith.constant 1.000000e+00 : f32
      %div3A_133 = arith.divf %div3A, %mul3A_132 : f32
      %neg3A = arith.constant 0.000000e+00 : f32
      %neg3A_134 = arith.subf %neg3A, %div3A_133 : f32
      %mul3A_135 = arith.mulf %neg3A_134, %add3A_130 : f32
      %get3A_136 = arith.constant 1 : index
      %get3A_137 = memref.load %arg9[%get3A_136] : memref<2xf32, #tpu.memory_space<smem>>
      %mul3A_138 = arith.constant 2.000000e+00 : f32
      %mul3A_139 = arith.mulf %mul3A_138, %get3A_137 : f32
      %sub3A = arith.subf %mul3A_135, %mul3A_139 : f32
      %div3A_140 = arith.constant 1.024000e+03 : f32
      %div3A_141 = arith.divf %sub3A, %div3A_140 : f32
      %reshape3A_142 = vector.broadcast %div3A_141 : f32 to vector<1x1xf32>
      %swap3A_143 = arith.constant 0 : index
      %swap3A_144 = arith.constant 0 : index
      %swap3A_145 = vector.load %arg6[%swap3A_143, %swap3A_144] : memref<1x1xf32, #tpu.memory_space<vmem>>, vector<1x1xf32>
      tpu.vector_store %arg6[%swap3A_143, %swap3A_144], %reshape3A_142 {strides = array<i32>} : memref<1x1xf32, #tpu.memory_space<vmem>>, vector<1x1xf32>,
    } else {
    }
    return
  }
  func.func @transform_0(%arg0: i32) -> (i32, i32) {
    %c0_i32 = arith.constant 0 : i32
    %c0_i32_0 = arith.constant 0 : i32
    return %arg0, %c0_i32 : i32, i32
  }
  func.func @transform_1(%arg0: i32) -> (i32, i32, i32) {
    %c0_i32 = arith.constant 0 : i32
    %c0_i32_0 = arith.constant 0 : i32
    %c0_i32_1 = arith.constant 0 : i32
    %c0_i32_2 = arith.constant 0 : i32
    return %c0_i32, %c0_i32_0, %c0_i32_1 : i32, i32, i32
  }
  func.func @transform_2(%arg0: i32) -> (i32, i32) {
    %c0_i32 = arith.constant 0 : i32
    %c0_i32_0 = arith.constant 0 : i32
    %c0_i32_1 = arith.constant 0 : i32
    return %c0_i32, %c0_i32_0 : i32, i32
  }
  func.func @transform_3(%arg0: i32) -> (i32, i32) {
    %c0_i32 = arith.constant 0 : i32
    %c0_i32_0 = arith.constant 0 : i32
    %c0_i32_1 = arith.constant 0 : i32
    return %c0_i32, %c0_i32_0 : i32, i32
  }
  func.func @transform_4(%arg0: i32) -> (i32, i32) {
    %c0_i32 = arith.constant 0 : i32
    %c0_i32_0 = arith.constant 0 : i32
    %c0_i32_1 = arith.constant 0 : i32
    return %c0_i32, %c0_i32_0 : i32, i32
  }
  func.func @transform_5(%arg0: i32) -> (i32, i32) {
    %c0_i32 = arith.constant 0 : i32
    %c0_i32_0 = arith.constant 0 : i32
    %c0_i32_1 = arith.constant 0 : i32
    return %c0_i32, %c0_i32_0 : i32, i32
  }
}

</mosaic_0001>

<sc_bundles>
// kernel: kernel.4.cloned.1.call-start
scs
__scs_entry_jumppad:
0x0: {  	(pc) =	sbr.rel $0x88, $3  }
0x1: {  	(tag) =	ssettag $0x0;
	lr =	simm.s32 $0x1  }
0x2: {  	[smem:$0x3F9C] =	sst lr;
	_ =	strace $0xD0000000  }
0x3: {  	_ = 	snop  }
0x4: {  	_ = 	snop  }
0x5: {  	_ = 	snop  }
0x6: {  	_ = 	snop  }
0x7: {  	_ = 	snop  }
__scs_overlays_trampoline_lowered:
0x8: {  	[smem:$0x3FAB] =	sst s0  }
0x9: {  	[smem:$0x3FAC] =	sst s1  }
0xa: {  	[smem:$0x3FAD] =	sst s2  }
0xb: {  	[smem:$0x3FAE] =	sst s3  }
0xc: {  	[smem:$0x3FAF] =	sst s4  }
0xd: {  	[smem:$0x3FB0] =	sst s5  }
0xe: {  	[smem:$0x3FB1] =	sst s6  }
0xf: {  	[smem:$0x3FB2] =	sst s7  }
0x10: {  	[smem:$0x3FB3] =	sst s8  }
0x11: {  	[smem:$0x3FB4] =	sst s9;
	s0 =	simm.s32 @!p0 $0x0  }
0x12: {  	s1 =	sld [smem:$0x3F9A];
	s0 =	simm.s32 @p0 $0x1  }
0x13: {  	[smem:$0x3FB5] =	sst s0;
	s0 =	simm.s32 @!p1 $0x0  }
0x14: {  	s2 =	sld [smem:$0x3F99];
	s0 =	simm.s32 @p1 $0x1  }
0x15: {  	[smem:$0x3FB6] =	sst s0;
	s0 =	simm.s32 @!p2 $0x0  }
0x16: {  	s3 =	sld [smem:$0x3FDB];
	s0 =	simm.s32 @p2 $0x1  }
0x17: {  	s4 =	simm.s32 $0x1BF5;
	[smem:$0x3FB8] =	sst s0  }
0x18: {  	s0 =	sld [smem:$0x3F9B];
	_ =	swait.ge [sflag:s4], $0x0  }
0x19: {  	s7 =	sld [smem:$0x3F9C]  }
0x1a: {  	s8 =	sadd.s32 $0xFFFFE003, lr  }
0x1b: {  	s9 =	sadd.s32 $0xFFFFFEF7, lr;
	s5 =	simm.s32 $0xFFFFFFFF;
	p2 =	slt.u32 s8, $0xFFFFF086  }
0x1c: {  	p1 =	slt.u32 s9, $0xF7A;
	s5 =	simm.s32 @!p2 $0x0  }
0x1d: {  	s5 =	simm.s32 @p1 $0x1;
	p0 =	seq.s32 s7, s2  }
0x1e: {  	s7 =	smul.u32 @!p0 $0xF7A, s2;
	p2 =	seq.s32 @!p0 s5, $0x0  }
0x1f: {  	s9 =	smul.u32 $0xF7A, s1;
	s8 =	simm.s32 @!p0 $0x1BF5;
	p2 =	por !p2, p0  }
0x20: {  	[sflag:s8] =	ssyncset.s32 @!p0 $0xFFFFF086;
	s6 =	sadd.s32 @!p0 s3, s7;
	s7 =	simm.s32 @!p0 $0x108  }
0x21: {  	s3 =	sadd.s32 s3, s9;
	s6 =	sadd.s32 @!p0 $0x88, s6;
	s7 =	simm.s32 @p2 $0x1082  }
0x22: {  	[simem:s7], [sflag:s8] =	dma.local @!p0 [hbm:s6], $0xF7A  }
0x23: {  	s9 =	sor.u32 $0xD0000000, s2;
	s6 =	simm.s32 $0x108;
	_ =	swait.ge @!p0 [sflag:s8], $0x0  }
0x24: {  	s3 =	sadd.s32 $0x88, s3;
	s6 =	simm.s32 @!p1 $0x1082;
	[sflag:s4] =	ssyncset.s32 $0xFFFFF086  }
0x25: {  	[simem:s6], [sflag:s4] =	dma.local [hbm:s3], $0xF7A  }
0x26: {  	[smem:$0x3F9C] =	sst s1;
	(tag) =	ssettag s2;
	_ =	strace s9  }
0x27: {  	s1 =	sld [smem:$0x3FAC]  }
0x28: {  	s2 =	sld [smem:$0x3FAD]  }
0x29: {  	s4 =	sld [smem:$0x3FAF]  }
0x2a: {  	p0 =	seq.s32 s5, $0x0;
	s5 =	sld [smem:$0x3FB0]  }
0x2b: {  	s6 =	sld [smem:$0x3FB1]  }
0x2c: {  	s7 =	sld [smem:$0x3FB2]  }
0x2d: {  	s3 =	simm.s32 $0x108;
	s8 =	sld [smem:$0x3FB3]  }
0x2e: {  	s3 =	simm.s32 @!p0 $0x1082;
	s9 =	sld [smem:$0x3FB4]  }
0x2f: {  	lr =	sadd.s32 s0, s3;
	s0 =	sld [smem:$0x3FAB]  }
0x30: {  	s3 =	sld [smem:$0x3FAE]  }
0x31: {  	[smem:$0x3FB7] =	sst s10  }
0x32: {  	s10 =	sld [smem:$0x3FB5];
	_ =	sdelay $0x3  }
0x33: {  	p0 =	seq.s32 s10, $0x1;
	s10 =	sld [smem:$0x3FB7];
	_ =	sdelay $0x3  }
0x34: {  	[smem:$0x3FB7] =	sst s10  }
0x35: {  	s10 =	sld [smem:$0x3FB6];
	_ =	sdelay $0x3  }
0x36: {  	p1 =	seq.s32 s10, $0x1;
	s10 =	sld [smem:$0x3FB7];
	_ =	sdelay $0x3  }
0x37: {  	[smem:$0x3FB7] =	sst s10  }
0x38: {  	s10 =	sld [smem:$0x3FB8]  }
0x39: {  	_ = 	snop;
	(pc) =	sbr.ind lr, $3  }
0x3a: {  	_ = 	snop  }
0x3b: {  	_ = 	snop  }
0x3c: {  	p2 =	seq.s32 s10, $0x1;
	s10 =	sld [smem:$0x3FB7]  }
0x3d: {  	_ =	shalt  }
0x3e: {  	_ =	shalt  }
0x3f: {  	_ =	shalt  }
0x40: {  	_ =	shalt  }
0x41: {  	_ =	shalt  }
0x42: {  	_ =	shalt  }
0x43: {  	_ =	shalt  }
0x44: {  	_ =	shalt  }
0x45: {  	_ =	shalt  }
0x46: {  	_ =	shalt  }
0x47: {  	_ =	shalt  }
0x48: {  	_ =	shalt  }
0x49: {  	_ =	shalt  }
0x4a: {  	_ =	shalt  }
0x4b: {  	_ =	shalt  }
0x4c: {  	_ =	shalt  }
0x4d: {  	_ =	shalt  }
0x4e: {  	_ =	shalt  }
0x4f: {  	_ =	shalt  }
0x50: {  	_ =	shalt  }
0x51: {  	_ =	shalt  }
0x52: {  	_ =	shalt  }
0x53: {  	_ =	shalt  }
0x54: {  	_ =	shalt  }
0x55: {  	_ =	shalt  }
0x56: {  	_ =	shalt  }
0x57: {  	_ =	shalt  }
0x58: {  	_ =	shalt  }
0x59: {  	_ =	shalt  }
0x5a: {  	_ =	shalt  }
0x5b: {  	_ =	shalt  }
0x5c: {  	_ =	shalt  }
0x5d: {  	_ =	shalt  }
0x5e: {  	_ =	shalt  }
0x5f: {  	_ =	shalt  }
0x60: {  	_ =	shalt  }
0x61: {  	_ =	shalt  }
0x62: {  	_ =	shalt  }
0x63: {  	_ =	shalt  }
0x64: {  	_ =	shalt  }
0x65: {  	_ =	shalt  }
0x66: {  	_ =	shalt  }
0x67: {  	_ =	shalt  }
0x68: {  	_ =	shalt  }
0x69: {  	_ =	shalt  }
0x6a: {  	_ =	shalt  }
0x6b: {  	_ =	shalt  }
0x6c: {  	_ =	shalt  }
0x6d: {  	_ =	shalt  }
0x6e: {  	_ =	shalt  }
0x6f: {  	_ =	shalt  }
0x70: {  	_ =	shalt  }
0x71: {  	_ =	shalt  }
0x72: {  	_ =	shalt  }
0x73: {  	_ =	shalt  }
0x74: {  	_ =	shalt  }
0x75: {  	_ =	shalt  }
0x76: {  	_ =	shalt  }
0x77: {  	_ =	shalt  }
0x78: {  	_ =	shalt  }
0x79: {  	_ =	shalt  }
0x7a: {  	_ =	shalt  }
0x7b: {  	_ =	shalt  }
0x7c: {  	_ =	shalt  }
0x7d: {  	_ =	shalt  }
0x7e: {  	_ =	shalt  }
0x7f: {  	_ =	shalt  }
0x80: {  	_ =	shalt  }
0x81: {  	_ =	shalt  }
0x82: {  	_ =	shalt  }
0x83: {  	_ =	shalt  }
0x84: {  	_ =	shalt  }
0x85: {  	_ =	shalt  }
0x86: {  	_ =	shalt  }
0x87: {  	_ =	shalt  }
.Lfunc_end0:
.L_simem_size_0:
called_computation_lowered:
.L_overlay_start_0:
0x88: {  	s0 =	sld [smem:$0x3FD9]  }
0x89: {  	s1 =	sld [smem:$0x3FFE];
	_ =	sdelay $0x3  }
0x8a: {  	s0 =	sadd.s32 s1, s0  }
0x8b: {  	[smem:$0x3FC3] =	sst s0  }
0x8c: {  	_ = 	snop  }
0x8d: {  	(tm) =	ssettm $0x1  }
0x8e: {  	s15 =	sld [smem:$0x3FFB];
	_ =	sdelay $0x3  }
0x8f: {  	_ =	strace s15  }
0x90: {  	s0 =	sld [smem:$0x3FFC];
	_ =	sdelay $0x3  }
0x91: {  	_ =	strace s0  }
0x92: {  	s0 =	sld [smem:$0x3FFD];
	_ =	sdelay $0x3  }
0x93: {  	_ =	strace s0  }
0x94: {  	_ =	strace $0x8FFFFFFF  }
0x95: {  	s16 =	sld [smem:$0x3FDB];
	_ =	sdelay $0x1  }
0x96: {  	s17 =	simm.s32 $_scs_section_size  }
0x97: {  	s2 =	simm.s32 $_size__tile_overlayer_lowered;
	s3 =	simm.s32 $_tile_overlayer_lowered  }
0x98: {  	s20 =	simm.s32 $0x1BFF;
	s19 =	sshll.u32 s3, $0x1;
	s0 =	sadd.s32 s17, s16  }
0x99: {  	s4 =	simm.s32 $0x0;
	s18 =	sshll.u32 s2, $0x1;
	s2 =	sadd.s32 s19, s0  }
0x9a: {  	[timem:s4], [sflag:s20] =	dma.local [hbm:s2], s18  }
0x9b: {  	_ =	swait.ge [sflag:s20], s18  }
0x9c: {  	s1 =	ssub.s32 $0x0, s18;
	[sflag:s20] =	ssyncset.done $0x0  }
0x9d: {  	[sflag:s20] =	ssyncadd.s32 s1;
	_ =	sdelay $0x1  }
0x9e: {  	s21 =	simm.s32 $0x1B8B  }
0x9f: {  	_ =	swait.ge [sflag:s21], $0x1  }
0xa0: {  	[sflag:s21] =	ssyncset.done $0x0  }
0xa1: {  	s23 =	simm.s32 $0x1B8E;
	s22 =	sld [smem:$0x3FFE];
	[sflag:s21] =	ssyncadd.s32 $0xFFFFFFFF  }
0xa2: {  	s24 =	simm.s32 $execute0_lowered;
	[smem:$0x3FD2] =	sst s23  }
0xa3: {  	s2 =	sshll.u32 s24, $0x1;
	_ =	strace $0x80000046;
	[dreg:$0x1] =	wrdreg $0xFFFFFFFF  }
0xa4: {  	s25 =	simm.s32 $_size_execute0_lowered;
	s0 =	sadd.s32 s0, s2;
	[dreg:$0x0] =	wrdreg $0x0  }
0xa5: {  	s2 =	sshll.u32 s25, $0x1;
	[dreg:$0x2] =	wrdreg s0  }
0xa6: {  	[dreg:$0x3] =	wrdreg s2  }
0xa7: {  	[dreg:$0x4] =	wrdreg $0xC0  }
0xa8: {  	_ =	task [dreg:s4], $0x5FFFF  }
0xa9: {  	[dreg:$0x1] =	wrdreg $0xFFFFFFFF  }
0xaa: {  	[dreg:$0x0] =	wrdreg $0x60  }
0xab: {  	[dreg:$0x2] =	wrdreg s22  }
0xac: {  	[dreg:$0x3] =	wrdreg $0x0  }
0xad: {  	[dreg:$0x4] =	wrdreg $0x9  }
0xae: {  	_ =	task.clear_ibuf [dreg:s4], $0x5FFFF;
	_ =	strace $0x90000046  }
0xaf: {  	s26 =	simm.s32 $0x9;
	_ =	strace $0x80000048  }
0xb0: {  	_ =	swait.ge [sflag:s26], $0x1  }
0xb1: {  	[sflag:s26] =	ssyncadd.s32 $0xFFFFFFFF  }
0xb2: {  	_ =	strace $0x90000048  }
0xb3: {  	_ =	sfence  }
0xb4: {  	s28 =	sld [smem:$0x0];
	_ =	sdelay $0x1  }
0xb5: {  	s29 =	srdreg.scid  }
0xb6: {  	s30 =	sshll.u32 s29, $0xD;
	s31 =	sshrl.u32 s29, $0x2  }
0xb7: {  	s1 =	sand.u32 $0x1, s29;
	s2 =	sand.u32 $0x4000, s30;
	s0 =	sadd.s32 s31, s28  }
0xb8: {  	s1 =	sor.u32 s2, s1;
	s0 =	sshll.u32 s0, $0x11  }
0xb9: {  	s0 =	sor.u32 s0, s1  }
0xba: {  	s0 =	sadd.s32 $0x8F2B, s0  }
0xbb: {  	[sflag:s0] =	ssyncadd.remote.s32 $0x1  }
0xbc: {  	_ =	sfence.sel $0xFFFF  }
0xbd: {  	[dreg:$0x0] =	wrdreg $0xFFFFFFFF;
	(pc) =	sbr.abs _section_cstart, $3  }
0xbe: {  	[dreg:$0x1] =	wrdreg $0xFFFFFFFF  }
0xbf: {  	_ =	task.clear_ibuf [dreg:s4], $0x2FFFF;
	_ =	strace $0x9FFFFFFF  }
0xc0: {  	(tm) =	ssettm $0x7FFFFFFF  }
0xc1: {  	_ =	shalt  }
tec
execute0_lowered:
.L_overlay_start_1:
0x0: {  	(tag) =	ssettag $0x1  }
0x1: {  	s1 =	rddreg [dreg:$0x0]  }
0x2: {  	s2 =	rddreg [dreg:$0x1];
	s4 =	stileid.u32  }
0x3: {  	s0 =	rddreg [dreg:$0x2];
	s5 =	simm.s32 $0x0;
	s3 =	sshll.u32 s4, $0x7  }
0x4: {  	s7 =	simm.s32 $0x1010;
	[smem:$0x7FF] =	sst s5;
	s6 =	sadd.s32 s3, s1  }
0x5: {  	s14 =	simm.s32 $0x1;
	_ =	strace $0x80000047;
	s3 =	sadd.s32 $0x1400, s6  }
0x6: {  	[tilespmem:s7], [sflag:$0x1] =	stream.linear.gather [hbm4b:s3+s5], $0x400, $0x38;
	[tilespmem:$0x2010] =	vst v63  }
0x7: {  	_ =	swait.ge [sflag:s14], $0x400  }
0x8: {  	[sflag:s14] =	ssyncset.done $0x0  }
0x9: {  	s15 =	simm.s32 $0x1410;
	s6 =	sadd.s32 $0xC00, s6;
	[sflag:s14] =	ssyncadd.s32 $0xFFFFFC00  }
0xa: {  	[tilespmem:s15], [sflag:$0x1] =	stream.linear.gather [hbm4b:s6+s5], $0x400, $0x38;
	[tilespmem:$0x2010] =	vst v63  }
0xb: {  	p0 =	sne.s32 s4, $0x0;
	_ =	swait.ge [sflag:s14], $0x400  }
0xc: {  	s4 =	sshrl.u32 @!p0 s2, $0x3;
	[sflag:s14] =	ssyncset.done $0x0  }
0xd: {  	s5 =	sadd.s32 $0x1C00, s1;
	s6 =	simm.s32 @!p0 $0x1C01;
	[sflag:s14] =	ssyncadd.s32 $0xFFFFFC00  }
0xe: {  	[spmem:s4], [sflag:s6] =	dma.local @!p0 [hbm:s5], $0x2000  }
0xf: {  	s5 =	simm.s32 @!p0 $0x1  }
0x10: {  	_ =	swait.ge @!p0 [sflag:s5], $0x2000  }
0x11: {  	[sflag:s5] =	ssyncset.done @!p0 $0x0  }
0x12: {  	[sflag:s5] =	ssyncadd.s32 @!p0 $0xFFFFE000  }
0x13: {  	v0 =	vld [tilespmem:$0x1010]  }
0x14: {  	v1 =	vld [tilespmem:$0x1410]  }
0x15: {  	v2 =	vld [tilespmem:$0x1020]  }
0x16: {  	v3 =	vld [tilespmem:$0x1420]  }
0x17: {  	v4 =	vld [tilespmem:$0x1030]  }
0x18: {  	v5 =	vld [tilespmem:$0x1430]  }
0x19: {  	v6 =	vld [tilespmem:$0x1040]  }
0x1a: {  	v7 =	vld [tilespmem:$0x1440]  }
0x1b: {  	v8 =	vld [tilespmem:$0x1050]  }
0x1c: {  	v9 =	vld [tilespmem:$0x1450]  }
0x1d: {  	v10 =	vld [tilespmem:$0x1060]  }
0x1e: {  	v11 =	vld [tilespmem:$0x1460]  }
0x1f: {  	v12 =	vld [tilespmem:$0x1070]  }
0x20: {  	v13 =	vld [tilespmem:$0x1470]  }
0x21: {  	v14 =	vld [tilespmem:$0x1080]  }
0x22: {  	v15 =	vld [tilespmem:$0x1480]  }
0x23: {  	v16 =	vld [tilespmem:$0x1090]  }
0x24: {  	v17 =	vld [tilespmem:$0x1490]  }
0x25: {  	v18 =	vld [tilespmem:$0x10A0]  }
0x26: {  	v19 =	vld [tilespmem:$0x14A0]  }
0x27: {  	v20 =	vld [tilespmem:$0x10B0]  }
0x28: {  	v21 =	vld [tilespmem:$0x14B0]  }
0x29: {  	v22 =	vld [tilespmem:$0x10C0]  }
0x2a: {  	v23 =	vld [tilespmem:$0x14C0]  }
0x2b: {  	v24 =	vld [tilespmem:$0x10D0]  }
0x2c: {  	v25 =	vld [tilespmem:$0x14D0]  }
0x2d: {  	v26 =	vld [tilespmem:$0x10E0]  }
0x2e: {  	v27 =	vld [tilespmem:$0x14E0]  }
0x2f: {  	v28 =	vld [tilespmem:$0x10F0]  }
0x30: {  	v29 =	vld [tilespmem:$0x14F0]  }
0x31: {  	v30 =	vld [tilespmem:$0x1100]  }
0x32: {  	v31 =	vld [tilespmem:$0x1500]  }
0x33: {  	v32 =	vld [tilespmem:$0x1110]  }
0x34: {  	v33 =	vld [tilespmem:$0x1510]  }
0x35: {  	v34 =	vld [tilespmem:$0x1120]  }
0x36: {  	v35 =	vld [tilespmem:$0x1520]  }
0x37: {  	v36 =	vld [tilespmem:$0x1130]  }
0x38: {  	v37 =	vld [tilespmem:$0x1530]  }
0x39: {  	v38 =	vld [tilespmem:$0x1140]  }
0x3a: {  	v39 =	vld [tilespmem:$0x1540]  }
0x3b: {  	v40 =	vld [tilespmem:$0x1150]  }
0x3c: {  	v41 =	vld [tilespmem:$0x1550]  }
0x3d: {  	v42 =	vld [tilespmem:$0x1160]  }
0x3e: {  	v43 =	vld [tilespmem:$0x1560]  }
0x3f: {  	v44 =	vld [tilespmem:$0x1170]  }
0x40: {  	v45 =	vld [tilespmem:$0x1570]  }
0x41: {  	v46 =	vld [tilespmem:$0x1180]  }
0x42: {  	v47 =	vld [tilespmem:$0x1580]  }
0x43: {  	v48 =	vld [tilespmem:$0x1190]  }
0x44: {  	v49 =	vld [tilespmem:$0x1590]  }
0x45: {  	v50 =	vld [tilespmem:$0x11A0]  }
0x46: {  	v51 =	vld [tilespmem:$0x15A0];
	v0 =	vshll.u32 v0, $0x8  }
0x47: {  	v52 =	vld [tilespmem:$0x11B0];
	v60 =	vshll.u32 v2, $0x8;
	v0 =	vadd.s32 v1, v0  }
0x48: {  	v53 =	vld [tilespmem:$0x15B0];
	v62 =	vshll.u32 v4, $0x8;
	v61 =	vadd.s32 v3, v60;
	[tilespmem:$0x1810] =	vst v0  }
0x49: {  	v54 =	vld [tilespmem:$0x11C0];
	v56 =	vshll.u32 v6, $0x8;
	v63 =	vadd.s32 v5, v62;
	[tilespmem:$0x1820] =	vst v61  }
0x4a: {  	v55 =	vld [tilespmem:$0x15C0];
	v58 =	vshll.u32 v8, $0x8;
	v57 =	vadd.s32 v7, v56;
	[tilespmem:$0x1830] =	vst v63  }
0x4b: {  	v2 =	vld [tilespmem:$0x11D0];
	v14 =	vshll.u32 v14, $0x8;
	v59 =	vadd.s32 v9, v58;
	[tilespmem:$0x1840] =	vst v57  }
0x4c: {  	v4 =	vld [tilespmem:$0x11E0];
	v16 =	vshll.u32 v16, $0x8;
	v15 =	vadd.s32 v15, v14;
	[tilespmem:$0x1850] =	vst v59  }
0x4d: {  	v6 =	vld [tilespmem:$0x11F0];
	v18 =	vshll.u32 v18, $0x8;
	v17 =	vadd.s32 v17, v16;
	[tilespmem:$0x1880] =	vst v15  }
0x4e: {  	v8 =	vld [tilespmem:$0x1200];
	v20 =	vshll.u32 v20, $0x8;
	v19 =	vadd.s32 v19, v18;
	[tilespmem:$0x1890] =	vst v17  }
0x4f: {  	v22 =	vshll.u32 v22, $0x8;
	v3 =	vld [tilespmem:$0x15D0];
	v21 =	vadd.s32 v21, v20;
	[tilespmem:$0x18A0] =	vst v19  }
0x50: {  	v24 =	vshll.u32 v24, $0x8;
	v5 =	vld [tilespmem:$0x15E0];
	v23 =	vadd.s32 v23, v22;
	[tilespmem:$0x18B0] =	vst v21  }
0x51: {  	v26 =	vshll.u32 v26, $0x8;
	v9 =	vld [tilespmem:$0x1600];
	v25 =	vadd.s32 v25, v24;
	[tilespmem:$0x18C0] =	vst v23  }
0x52: {  	v28 =	vshll.u32 v28, $0x8;
	v60 =	vshll.u32 v10, $0x8;
	v10 =	vld [tilespmem:$0x1210];
	v27 =	vadd.s32 v27, v26;
	[tilespmem:$0x18D0] =	vst v25  }
0x53: {  	v30 =	vshll.u32 v30, $0x8;
	v62 =	vshll.u32 v12, $0x8;
	v12 =	vld [tilespmem:$0x1220];
	v29 =	vadd.s32 v29, v28;
	[tilespmem:$0x18E0] =	vst v27  }
0x54: {  	v32 =	vshll.u32 v32, $0x8;
	v14 =	vld [tilespmem:$0x1230];
	v31 =	vadd.s32 v31, v30;
	[tilespmem:$0x18F0] =	vst v29  }
0x55: {  	v34 =	vshll.u32 v34, $0x8;
	v16 =	vld [tilespmem:$0x1240];
	v33 =	vadd.s32 v33, v32;
	[tilespmem:$0x1900] =	vst v31  }
0x56: {  	v36 =	vshll.u32 v36, $0x8;
	v18 =	vld [tilespmem:$0x1250];
	v35 =	vadd.s32 v35, v34;
	[tilespmem:$0x1910] =	vst v33  }
0x57: {  	v38 =	vshll.u32 v38, $0x8;
	v37 =	vadd.s32 v37, v36;
	v20 =	vld [tilespmem:$0x1260];
	[tilespmem:$0x1920] =	vst v35  }
0x58: {  	v40 =	vshll.u32 v40, $0x8;
	v39 =	vadd.s32 v39, v38;
	v22 =	vld [tilespmem:$0x1270];
	[tilespmem:$0x1930] =	vst v37  }
0x59: {  	v42 =	vshll.u32 v42, $0x8;
	v41 =	vadd.s32 v41, v40;
	v24 =	vld [tilespmem:$0x1280];
	[tilespmem:$0x1940] =	vst v39  }
0x5a: {  	v44 =	vshll.u32 v44, $0x8;
	v43 =	vadd.s32 v43, v42;
	v26 =	vld [tilespmem:$0x1290];
	[tilespmem:$0x1950] =	vst v41  }
0x5b: {  	v46 =	vshll.u32 v46, $0x8;
	v45 =	vadd.s32 v45, v44;
	v28 =	vld [tilespmem:$0x12A0];
	[tilespmem:$0x1960] =	vst v43  }
0x5c: {  	v48 =	vshll.u32 v48, $0x8;
	v47 =	vadd.s32 v47, v46;
	v32 =	vld [tilespmem:$0x16C0];
	[tilespmem:$0x1970] =	vst v45  }
0x5d: {  	v50 =	vshll.u32 v50, $0x8;
	v49 =	vadd.s32 v49, v48;
	v38 =	vld [tilespmem:$0x16D0];
	[tilespmem:$0x1980] =	vst v47  }
0x5e: {  	v52 =	vshll.u32 v52, $0x8;
	v51 =	vadd.s32 v51, v50;
	v44 =	vld [tilespmem:$0x16E0];
	[tilespmem:$0x1990] =	vst v49  }
0x5f: {  	v53 =	vadd.s32 v53, v52;
	v50 =	vld [tilespmem:$0x16F0];
	[tilespmem:$0x19A0] =	vst v51  }
0x60: {  	v61 =	vadd.s32 v11, v60;
	v63 =	vld [tilespmem:$0x15F0];
	[tilespmem:$0x19B0] =	vst v53  }
0x61: {  	v56 =	vshll.u32 v54, $0x8;
	v13 =	vadd.s32 v13, v62;
	v11 =	vld [tilespmem:$0x1610];
	[tilespmem:$0x1860] =	vst v61  }
0x62: {  	v15 =	vld [tilespmem:$0x1630];
	v57 =	vadd.s32 v55, v56;
	[tilespmem:$0x1870] =	vst v13;
	v58 =	vshll.u32 v2, $0x8  }
0x63: {  	v17 =	vld [tilespmem:$0x1640];
	[tilespmem:$0x19C0] =	vst v57;
	v60 =	vshll.u32 v4, $0x8;
	v59 =	vadd.s32 v3, v58  }
0x64: {  	v19 =	vld [tilespmem:$0x1650];
	v8 =	vshll.u32 v8, $0x8;
	v61 =	vadd.s32 v5, v60;
	[tilespmem:$0x19D0] =	vst v59  }
0x65: {  	v21 =	vld [tilespmem:$0x1660];
	v62 =	vshll.u32 v6, $0x8;
	v30 =	vadd.s32 v9, v8;
	[tilespmem:$0x19E0] =	vst v61  }
0x66: {  	v23 =	vld [tilespmem:$0x1670];
	v31 =	vshll.u32 v10, $0x8;
	v63 =	vadd.s32 v63, v62;
	[tilespmem:$0x1A00] =	vst v30  }
0x67: {  	v25 =	vld [tilespmem:$0x1680];
	v37 =	vshll.u32 v14, $0x8;
	v33 =	vadd.s32 v11, v31;
	[tilespmem:$0x19F0] =	vst v63  }
0x68: {  	v27 =	vld [tilespmem:$0x1690];
	v40 =	vshll.u32 v16, $0x8;
	v39 =	vadd.s32 v15, v37;
	[tilespmem:$0x1A10] =	vst v33  }
0x69: {  	v29 =	vld [tilespmem:$0x12C0];
	v43 =	vshll.u32 v18, $0x8;
	v42 =	vadd.s32 v17, v40;
	[tilespmem:$0x1A30] =	vst v39  }
0x6a: {  	v13 =	vld [tilespmem:$0x1620];
	v46 =	vshll.u32 v20, $0x8;
	v45 =	vadd.s32 v19, v43;
	[tilespmem:$0x1A40] =	vst v42  }
0x6b: {  	v35 =	vld [tilespmem:$0x12D0];
	v49 =	vshll.u32 v22, $0x8;
	v48 =	vadd.s32 v21, v46;
	[tilespmem:$0x1A50] =	vst v45  }
0x6c: {  	v41 =	vld [tilespmem:$0x12E0];
	v52 =	vshll.u32 v24, $0x8;
	v51 =	vadd.s32 v23, v49;
	[tilespmem:$0x1A60] =	vst v48  }
0x6d: {  	v47 =	vld [tilespmem:$0x12F0];
	v55 =	vshll.u32 v26, $0x8;
	v54 =	vadd.s32 v25, v52;
	[tilespmem:$0x1A70] =	vst v51  }
0x6e: {  	v53 =	vld [tilespmem:$0x1300];
	v34 =	vshll.u32 v12, $0x8;
	v57 =	vadd.s32 v27, v55;
	[tilespmem:$0x1A80] =	vst v54  }
0x6f: {  	v56 =	vld [tilespmem:$0x1700];
	v16 =	vshll.u32 v29, $0x8;
	v36 =	vadd.s32 v13, v34;
	[tilespmem:$0x1A90] =	vst v57  }
0x70: {  	v19 =	vshll.u32 v35, $0x8;
	v18 =	vadd.s32 v32, v16;
	[tilespmem:$0x1A20] =	vst v36  }
0x71: {  	v22 =	vshll.u32 v41, $0x8;
	v21 =	vadd.s32 v38, v19;
	[tilespmem:$0x1AC0] =	vst v18  }
0x72: {  	v25 =	vshll.u32 v47, $0x8;
	v24 =	vadd.s32 v44, v22;
	[tilespmem:$0x1AD0] =	vst v21  }
0x73: {  	v58 =	vshll.u32 v28, $0x8;
	v28 =	vshll.u32 v53, $0x8;
	v27 =	vadd.s32 v50, v25;
	[tilespmem:$0x1AE0] =	vst v24  }
0x74: {  	v29 =	vadd.s32 v56, v28;
	[tilespmem:$0x1AF0] =	vst v27  }
0x75: {  	v38 =	vimm.f32 $1.000000000e+00;
	[tilespmem:$0x1B00] =	vst v29  }
0x76: {  	[tilespmem:$0x1C10] =	vst v38  }
0x77: {  	[tilespmem:$0x1C20] =	vst v38  }
0x78: {  	[tilespmem:$0x1C30] =	vst v38  }
0x79: {  	[tilespmem:$0x1C40] =	vst v38  }
0x7a: {  	[tilespmem:$0x1C50] =	vst v38  }
0x7b: {  	[tilespmem:$0x1C60] =	vst v38  }
0x7c: {  	[tilespmem:$0x1C70] =	vst v38  }
0x7d: {  	[tilespmem:$0x1C80] =	vst v38  }
0x7e: {  	[tilespmem:$0x1C90] =	vst v38  }
0x7f: {  	[tilespmem:$0x1CA0] =	vst v38  }
0x80: {  	[tilespmem:$0x1CB0] =	vst v38  }
0x81: {  	[tilespmem:$0x1CC0] =	vst v38  }
0x82: {  	[tilespmem:$0x1CD0] =	vst v38  }
0x83: {  	[tilespmem:$0x1CE0] =	vst v38  }
0x84: {  	[tilespmem:$0x1CF0] =	vst v38  }
0x85: {  	[tilespmem:$0x1D00] =	vst v38  }
0x86: {  	[tilespmem:$0x1D10] =	vst v38  }
0x87: {  	[tilespmem:$0x1D20] =	vst v38  }
0x88: {  	[tilespmem:$0x1D30] =	vst v38  }
0x89: {  	[tilespmem:$0x1D40] =	vst v38  }
0x8a: {  	[tilespmem:$0x1D50] =	vst v38  }
0x8b: {  	[tilespmem:$0x1D60] =	vst v38  }
0x8c: {  	[tilespmem:$0x1D70] =	vst v38  }
0x8d: {  	[tilespmem:$0x1D80] =	vst v38  }
0x8e: {  	[tilespmem:$0x1D90] =	vst v38  }
0x8f: {  	[tilespmem:$0x1DA0] =	vst v38  }
0x90: {  	[tilespmem:$0x1DB0] =	vst v38  }
0x91: {  	[tilespmem:$0x1DC0] =	vst v38  }
0x92: {  	[tilespmem:$0x1DD0] =	vst v38  }
0x93: {  	[tilespmem:$0x1DE0] =	vst v38  }
0x94: {  	[tilespmem:$0x1DF0] =	vst v38  }
0x95: {  	[tilespmem:$0x1E00] =	vst v38  }
0x96: {  	[tilespmem:$0x1E10] =	vst v38  }
0x97: {  	[tilespmem:$0x1E20] =	vst v38  }
0x98: {  	[tilespmem:$0x1E30] =	vst v38  }
0x99: {  	[tilespmem:$0x1E40] =	vst v38  }
0x9a: {  	[tilespmem:$0x1E50] =	vst v38  }
0x9b: {  	[tilespmem:$0x1E60] =	vst v38  }
0x9c: {  	[tilespmem:$0x1E70] =	vst v38  }
0x9d: {  	[tilespmem:$0x1E80] =	vst v38  }
0x9e: {  	[tilespmem:$0x1E90] =	vst v38  }
0x9f: {  	v2 =	vld [tilespmem:$0x16A0];
	[tilespmem:$0x1EA0] =	vst v38  }
0xa0: {  	v4 =	vld [tilespmem:$0x16B0];
	[tilespmem:$0x1EB0] =	vst v38  }
0xa1: {  	v3 =	vld [tilespmem:$0x12B0];
	[tilespmem:$0x1EC0] =	vst v38  }
0xa2: {  	v20 =	vld [tilespmem:$0x1720];
	[tilespmem:$0x1ED0] =	vst v38  }
0xa3: {  	v26 =	vld [tilespmem:$0x1730];
	[tilespmem:$0x1EE0] =	vst v38  }
0xa4: {  	v59 =	vld [tilespmem:$0x1310];
	[tilespmem:$0x1EF0] =	vst v38  }
0xa5: {  	v62 =	vld [tilespmem:$0x1710];
	[tilespmem:$0x1F00] =	vst v38  }
0xa6: {  	v17 =	vld [tilespmem:$0x1320];
	[tilespmem:$0x1F10] =	vst v38  }
0xa7: {  	v23 =	vld [tilespmem:$0x1330];
	[tilespmem:$0x1F20] =	vst v38  }
0xa8: {  	v40 =	vld [tilespmem:$0x1350];
	[tilespmem:$0x1F30] =	vst v38  }
0xa9: {  	v41 =	vld [tilespmem:$0x1750];
	[tilespmem:$0x1F40] =	vst v38  }
0xaa: {  	v43 =	vld [tilespmem:$0x1760];
	[tilespmem:$0x1F50] =	vst v38  }
0xab: {  	v46 =	vld [tilespmem:$0x1380];
	[tilespmem:$0x1F60] =	vst v38  }
0xac: {  	v47 =	vld [tilespmem:$0x1780];
	[tilespmem:$0x1F70] =	vst v38  }
0xad: {  	v49 =	vld [tilespmem:$0x1790];
	[tilespmem:$0x1F80] =	vst v38  }
0xae: {  	v52 =	vld [tilespmem:$0x13B0];
	[tilespmem:$0x1F90] =	vst v38  }
0xaf: {  	v53 =	vld [tilespmem:$0x17B0];
	[tilespmem:$0x1FA0] =	vst v38  }
0xb0: {  	v55 =	vld [tilespmem:$0x17C0];
	[tilespmem:$0x1FB0] =	vst v38  }
0xb1: {  	v33 =	vld [tilespmem:$0x1340];
	[tilespmem:$0x1FC0] =	vst v38  }
0xb2: {  	v42 =	vld [tilespmem:$0x1360];
	[tilespmem:$0x1FD0] =	vst v38  }
0xb3: {  	v44 =	vld [tilespmem:$0x1370];
	[tilespmem:$0x1FE0] =	vst v38  }
0xb4: {  	v45 =	vld [tilespmem:$0x1770];
	[tilespmem:$0x1FF0] =	vst v38  }
0xb5: {  	v36 =	vld [tilespmem:$0x1740];
	[tilespmem:$0x2000] =	vst v38;
	v60 =	vadd.s32 v2, v58;
	v61 =	vshll.u32 v3, $0x8  }
0xb6: {  	v48 =	vld [tilespmem:$0x1390];
	[tilespmem:$0x1AA0] =	vst v60;
	v63 =	vadd.s32 v4, v61;
	v30 =	vshll.u32 v59, $0x8  }
0xb7: {  	v50 =	vld [tilespmem:$0x13A0];
	v32 =	vshll.u32 v17, $0x8;
	[tilespmem:$0x1AB0] =	vst v63;
	v31 =	vadd.s32 v62, v30  }
0xb8: {  	v51 =	vld [tilespmem:$0x17A0];
	v35 =	vshll.u32 v23, $0x8;
	v34 =	vadd.s32 v20, v32;
	[tilespmem:$0x1B10] =	vst v31  }
0xb9: {  	v54 =	vld [tilespmem:$0x13C0];
	v37 =	vadd.s32 v26, v35;
	v39 =	vshll.u32 v33, $0x8;
	[tilespmem:$0x1B20] =	vst v34  }
0xba: {  	v56 =	vld [tilespmem:$0x13D0];
	v2 =	vshll.u32 v40, $0x8;
	[tilespmem:$0x1B30] =	vst v37;
	v1 =	vadd.s32 v36, v39  }
0xbb: {  	v57 =	vld [tilespmem:$0x17D0];
	[tilespmem:$0x1B40] =	vst v1;
	v1 =	vadd.s32 v41, v2;
	v2 =	vshll.u32 v42, $0x8  }
0xbc: {  	v58 =	vld [tilespmem:$0x13E0];
	[tilespmem:$0x1B50] =	vst v1;
	v1 =	vadd.s32 v43, v2;
	v2 =	vshll.u32 v44, $0x8  }
0xbd: {  	v60 =	vld [tilespmem:$0x13F0];
	[tilespmem:$0x1B60] =	vst v1;
	v1 =	vadd.s32 v45, v2;
	v2 =	vshll.u32 v46, $0x8  }
0xbe: {  	v59 =	vld [tilespmem:$0x17E0];
	[tilespmem:$0x1B70] =	vst v1;
	v1 =	vadd.s32 v47, v2;
	v2 =	vshll.u32 v48, $0x8  }
0xbf: {  	v61 =	vld [tilespmem:$0x17F0];
	[tilespmem:$0x1B80] =	vst v1;
	v1 =	vadd.s32 v49, v2;
	v2 =	vshll.u32 v50, $0x8  }
0xc0: {  	v62 =	vld [tilespmem:$0x1400];
	[tilespmem:$0x1B90] =	vst v1;
	v1 =	vadd.s32 v51, v2;
	v2 =	vshll.u32 v52, $0x8  }
0xc1: {  	v63 =	vld [tilespmem:$0x1800];
	[tilespmem:$0x1BA0] =	vst v1;
	v1 =	vadd.s32 v53, v2;
	v2 =	vshll.u32 v54, $0x8  }
0xc2: {  	[tilespmem:$0x1BB0] =	vst v1;
	v1 =	vadd.s32 v55, v2;
	v2 =	vshll.u32 v56, $0x8  }
0xc3: {  	[tilespmem:$0x1BC0] =	vst v1;
	v1 =	vadd.s32 v57, v2;
	v2 =	vshll.u32 v58, $0x8  }
0xc4: {  	[tilespmem:$0x1BD0] =	vst v1;
	v1 =	vadd.s32 v59, v2;
	v2 =	vshll.u32 v60, $0x8  }
0xc5: {  	[tilespmem:$0x1BE0] =	vst v1;
	v1 =	vadd.s32 v61, v2;
	v2 =	vshll.u32 v62, $0x8  }
0xc6: {  	[tilespmem:$0x1BF0] =	vst v1;
	v1 =	vadd.s32 v63, v2  }
0xc7: {  	s16 =	simm.s32 $0x80;
	[tilespmem:$0x1C00] =	vst v1  }
0xc8: {  	s8 =	simm.s32 $0x1810;
	s9 =	simm.s32 $0x1C10;
	[bflag:$0x0] =	sbarrier.arrive $0xFFFF  }
0xc9: {  	[spmem:s2] =	stream.indirect.scatter.add.f32 [tilespmem:s9], [sflag:$0x1], $0x1, s8, s16, $0xb8;
	[tilespmem:$0x2010] =	vst v63  }
0xca: {  	_ =	swait.ge [sflag:s14], $0x80  }
0xcb: {  	[sflag:s14] =	ssyncset.done $0x0  }
0xcc: {  	s17 =	simm.s32 $0x1890;
	s18 =	simm.s32 $0x1C90;
	[sflag:s14] =	ssyncadd.s32 $0xFFFFFF80  }
0xcd: {  	[spmem:s2] =	stream.indirect.scatter.add.f32 [tilespmem:s18], [sflag:$0x1], $0x1, s17, s16, $0xb8;
	[tilespmem:$0x2010] =	vst v63  }
0xce: {  	_ =	swait.ge [sflag:s14], $0x80  }
0xcf: {  	[sflag:s14] =	ssyncset.done $0x0  }
0xd0: {  	s19 =	simm.s32 $0x1910;
	s20 =	simm.s32 $0x1D10;
	[sflag:s14] =	ssyncadd.s32 $0xFFFFFF80  }
0xd1: {  	[spmem:s2] =	stream.indirect.scatter.add.f32 [tilespmem:s20], [sflag:$0x1], $0x1, s19, s16, $0xb8;
	[tilespmem:$0x2010] =	vst v63  }
0xd2: {  	_ =	swait.ge [sflag:s14], $0x80  }
0xd3: {  	[sflag:s14] =	ssyncset.done $0x0  }
0xd4: {  	s21 =	simm.s32 $0x1990;
	s22 =	simm.s32 $0x1D90;
	[sflag:s14] =	ssyncadd.s32 $0xFFFFFF80  }
0xd5: {  	[spmem:s2] =	stream.indirect.scatter.add.f32 [tilespmem:s22], [sflag:$0x1], $0x1, s21, s16, $0xb8;
	[tilespmem:$0x2010] =	vst v63  }
0xd6: {  	_ =	swait.ge [sflag:s14], $0x80  }
0xd7: {  	[sflag:s14] =	ssyncset.done $0x0  }
0xd8: {  	s23 =	simm.s32 $0x1A10;
	s24 =	simm.s32 $0x1E10;
	[sflag:s14] =	ssyncadd.s32 $0xFFFFFF80  }
0xd9: {  	[spmem:s2] =	stream.indirect.scatter.add.f32 [tilespmem:s24], [sflag:$0x1], $0x1, s23, s16, $0xb8;
	[tilespmem:$0x2010] =	vst v63  }
0xda: {  	_ =	swait.ge [sflag:s14], $0x80  }
0xdb: {  	[sflag:s14] =	ssyncset.done $0x0  }
0xdc: {  	s25 =	simm.s32 $0x1A90;
	s26 =	simm.s32 $0x1E90;
	[sflag:s14] =	ssyncadd.s32 $0xFFFFFF80  }
0xdd: {  	[spmem:s2] =	stream.indirect.scatter.add.f32 [tilespmem:s26], [sflag:$0x1], $0x1, s25, s16, $0xb8;
	[tilespmem:$0x2010] =	vst v63  }
0xde: {  	_ =	swait.ge [sflag:s14], $0x80  }
0xdf: {  	[sflag:s14] =	ssyncset.done $0x0  }
0xe0: {  	s28 =	simm.s32 $0x1B10;
	s29 =	simm.s32 $0x1F10;
	[sflag:s14] =	ssyncadd.s32 $0xFFFFFF80  }
0xe1: {  	[spmem:s2] =	stream.indirect.scatter.add.f32 [tilespmem:s29], [sflag:$0x1], $0x1, s28, s16, $0xb8;
	[tilespmem:$0x2010] =	vst v63  }
0xe2: {  	_ =	swait.ge [sflag:s14], $0x80  }
0xe3: {  	[sflag:s14] =	ssyncset.done $0x0  }
0xe4: {  	s30 =	simm.s32 $0x1B90;
	s31 =	simm.s32 $0x1F90;
	[sflag:s14] =	ssyncadd.s32 $0xFFFFFF80  }
0xe5: {  	[spmem:s2] =	stream.indirect.scatter.add.f32 [tilespmem:s31], [sflag:$0x1], $0x1, s30, s16, $0xb8;
	[tilespmem:$0x2010] =	vst v63  }
0xe6: {  	_ =	swait.ge [sflag:s14], $0x80  }
0xe7: {  	[sflag:s14] =	ssyncset.done $0x0  }
0xe8: {  	[sflag:s14] =	ssyncadd.s32 $0xFFFFFF80  }
0xe9: {  	[bflag:$0x0] =	sbarrier.arrive $0xFFFF  }
0xea: {  	_ =	sfence.sel @p0 $0x180000  }
0xeb: {  	[bflag:$0x0] =	sbarrier.arrive @p0 $0xFFFF  }
0xec: {  	_ =	strace @p0 $0x90000047  }
0xed: {  	s1 =	sadd.s32 $0x3C00, s1;
	[bflag:$0x2] =	sbarrier.arrive @p0 $0xFFFF  }
0xee: {  	[hbm:s1], [sflag:s6] =	dma.local @!p0 [spmem:s4], $0x2000  }
0xef: {  	_ =	swait.ge @!p0 [sflag:s5], $0x2000  }
0xf0: {  	[sflag:s5] =	ssyncset.done @!p0 $0x0  }
0xf1: {  	[sflag:s5] =	ssyncadd.s32 @!p0 $0xFFFFE000  }
0xf2: {  	_ =	sfence.sel @!p0 $0x180000  }
0xf3: {  	[bflag:$0x0] =	sbarrier.arrive @!p0 $0xFFFF  }
0xf4: {  	_ =	strace @!p0 $0x90000047  }
0xf5: {  	s0 =	sadd.s32 @!p0 $0x100000, s0;
	[bflag:$0x2] =	sbarrier.arrive @!p0 $0xFFFF  }
0xf6: {  	[sflag:s0] =	ssyncadd.tile.s32 @!p0 $0x1;
	_ =	shalt  }
.Lfunc_end2:
_tile_overlayer_lowered:
.L_overlay_start_2:
0xf7: {  	(tag) =	ssettag $0x2  }
0xf8: {  	s0 =	rddreg [dreg:$0x0];
	s2 =	stileid.u32  }
0xf9: {  	s1 =	rddreg [dreg:$0x1];
	p0 =	sne.s32 s2, $0x0  }
0xfa: {  	s3 =	rddreg [dreg:$0x2];
	[bflag:$0x3] =	sbarrier.arrive $0xFFFF;
	s2 =	simm.s32 @!p0 $0x1C01  }
0xfb: {  	[timem:s3], [sflag:s2] =	dma.local @!p0 [hbm:s0], s1  }
0xfc: {  	s0 =	simm.s32 @!p0 $0x1  }
0xfd: {  	_ =	swait.ge @!p0 [sflag:s0], s1  }
0xfe: {  	s1 =	ssub.s32 @!p0 $0x0, s1;
	[sflag:s0] =	ssyncset.done @!p0 $0x0  }
0xff: {  	[sflag:s0] =	ssyncadd.s32 @!p0 s1  }
0x100: {  	[bflag:$0x3] =	sbarrier.arrive $0xFFFF  }
0x101: {  	_ =	shalt  }

</sc_bundles>
